<compile_context>
chip_gen: v7x
topology: tpu7x:2x2x1
jax: 0.10.2.dev20260603
libtpu: 0.0.44.dev20260713+nightly
codegen_flags: <defaults>
</compile_context>

<pallas_src>
import functools

import jax
import jax.numpy as jnp
from jax import lax
from jax.experimental import pallas as pl
from jax.experimental.pallas import tpu as pltpu
from jax.experimental.pallas import tpu_sc as plsc

D_MODEL = 2048
NTOK = 4 * 4096
NC, NS = 2, 16
NW = NC * NS
TOK_PER_W = NTOK // NW
K = 8
NBUF = 4
NCHUNK = TOK_PER_W // K
NITER = NCHUNK // NBUF

_mesh = plsc.VectorSubcoreMesh(
    core_axis_name="c", subcore_axis_name="s", num_cores=NC, num_subcores=NS
)


@functools.partial(
    pl.kernel,
    out_type=jax.ShapeDtypeStruct((NTOK, D_MODEL), jnp.float32),
    mesh=_mesh,
    scratch_types=[
        pltpu.VMEM((NCHUNK, K), jnp.int32),
        [pltpu.VMEM((K, D_MODEL), jnp.float32) for _ in range(NBUF)],
        [pltpu.SemaphoreType.DMA for _ in range(NBUF)],
        [pltpu.SemaphoreType.DMA for _ in range(NBUF)],
    ],
)
def _gather(ids_hbm, table_hbm, out_hbm, idx_v, rows, gsem, ssem):
    wid = lax.axis_index("s") * NC + lax.axis_index("c")
    base = pl.multiple_of(wid * TOK_PER_W, TOK_PER_W)
    pltpu.sync_copy(ids_hbm.at[wid], idx_v)

    def out_slice(j):
        return out_hbm.at[pl.ds(base + pl.multiple_of(j * K, 8), K)]

    def g_start(j, b):
        pltpu.async_copy(table_hbm.at[idx_v.at[j]], rows[b], gsem[b])

    def g_wait(j, b):
        pltpu.make_async_copy(table_hbm.at[idx_v.at[j]], rows[b], gsem[b]).wait()

    def s_start(j, b):
        pltpu.async_copy(rows[b], out_slice(j), ssem[b])

    def s_wait(j, b):
        pltpu.make_async_copy(rows[b], out_slice(j), ssem[b]).wait()

    for b in range(NBUF):
        g_start(b, b)

    def body(i, carry):
        j0 = i * NBUF
        for b in range(NBUF):
            g_wait(j0 + b, b)
            s_start(j0 + b, b)
        for b in range(NBUF):
            s_wait(j0 + b, b)
            g_start(j0 + NBUF + b, b)
        return carry

    lax.fori_loop(0, NITER - 1, body, 0)

    jl = (NITER - 1) * NBUF
    for b in range(NBUF):
        g_wait(jl + b, b)
        s_start(jl + b, b)
    for b in range(NBUF):
        s_wait(jl + b, b)


def kernel(input_ids, positions, out_cache_loc, embed_tokens):
    ids = input_ids.reshape(NW, NCHUNK, K)
    out = _gather(ids, embed_tokens)
    return out.reshape(*input_ids.shape, D_MODEL)

# --- scband reference (transcript-rebuilt; emitter-appended) ---
"""Pipeline reference for scband-input-processor-base-78752520339566 (READ-ONLY COPY).

The authoritative reference and input builder live on the scoring server;
editing this copy changes nothing except your own understanding.
"""

import jax, jax.numpy as jnp
import numpy as np

VOCAB = 100352
D_MODEL = 2048
B, S = 4, 4096

def setup_inputs(seed: int = 0) -> dict:
    key = jax.random.key(seed)
    k1, k2, k3 = jax.random.split(key, 3)
    input_ids = jax.random.randint(k1, (B, S), 0, VOCAB, dtype=jnp.int32)
    positions = jnp.tile(jnp.arange(S, dtype=jnp.int32)[None, :], (B, 1))
    out_cache_loc = jax.random.randint(k2, (B * S,), 0, B * S, dtype=jnp.int32)
    # learned parameter: base_lm.model.embed_tokens weight table
    embed_tokens = jax.random.normal(k3, (VOCAB, D_MODEL), dtype=jnp.float32) * 0.02
    return {"input_ids": input_ids, "positions": positions, "out_cache_loc": out_cache_loc, "embed_tokens": embed_tokens}

def reference(input_ids, positions, out_cache_loc, embed_tokens):
    # InputProcessorBase.forward with input_embeds=None:
    # return self.base_lm.model.embed_tokens(input_ids)
    # positions / ctx / out_cache_loc are unused in this default path.
    return jnp.take(embed_tokens, input_ids, axis=0)

if __name__ == "__main__":
    import jax
    _d = setup_inputs()
    print(jax.jit(kernel)(*tuple(_d.values())))

</pallas_src>

<mosaic_0001>
#map = affine_map<(d0, d1) -> (0, 0, 0)>
#map1 = affine_map<(d0, d1) -> (0, 0)>
module attributes {stable_mosaic.version = 14 : i64} {
  func.func @_gather(%arg0: i32, %arg1: i32, %arg2: memref<32x64x8xi32, #tpu.memory_space<hbm>>, %arg3: memref<100352x2048xf32, #tpu.memory_space<hbm>>, %arg4: memref<16384x2048xf32, #tpu.memory_space<hbm>>, %arg5: memref<64x8xi32, #tpu.memory_space<vmem>>, %arg6: memref<8x2048xf32, #tpu.memory_space<vmem>>, %arg7: memref<8x2048xf32, #tpu.memory_space<vmem>>, %arg8: memref<8x2048xf32, #tpu.memory_space<vmem>>, %arg9: memref<8x2048xf32, #tpu.memory_space<vmem>>, %arg10: memref<!tpu.dma_semaphore, #tpu.memory_space<semaphore_mem>>, %arg11: memref<!tpu.dma_semaphore, #tpu.memory_space<semaphore_mem>>, %arg12: memref<!tpu.dma_semaphore, #tpu.memory_space<semaphore_mem>>, %arg13: memref<!tpu.dma_semaphore, #tpu.memory_space<semaphore_mem>>, %arg14: memref<!tpu.dma_semaphore, #tpu.memory_space<semaphore_mem>>, %arg15: memref<!tpu.dma_semaphore, #tpu.memory_space<semaphore_mem>>, %arg16: memref<!tpu.dma_semaphore, #tpu.memory_space<semaphore_mem>>, %arg17: memref<!tpu.dma_semaphore, #tpu.memory_space<semaphore_mem>>) attributes {dimension_semantics = [#tpu.dimension_semantics<core_parallel>, #tpu.dimension_semantics<subcore_parallel>], iteration_bounds = array<i64: 2, 16>, scalar_prefetch = 0 : i64, scratch_operands = 13 : i64, tpu.core_type = #tpu.core_type<sc_vector_subcore>, window_params = [{transform_indices = #map}, {transform_indices = #map1}, {transform_indices = #map1}]} {
    %mul3A = arith.constant 2 : i32
    %mul3A_0 = arith.muli %arg1, %mul3A : i32
    %add3A = arith.addi %mul3A_0, %arg0 : i32
    %mul3A_1 = arith.constant 512 : i32
    %mul3A_2 = arith.muli %add3A, %mul3A_1 : i32
    %multiple_of3A = tpu.assume_multiple %mul3A_2, 512 : i32
    "tpu.region"() ({
      %run_scoped3A = tpu.sem_alloc : memref<!tpu.dma_semaphore, #tpu.memory_space<semaphore_mem>>
      %dma_start3A_118 = arith.constant 0 : i32
      %dma_start3A_119 = arith.constant 0 : i32
      %dma_start3A_120 = tpu.memref_slice %arg2[%add3A, %dma_start3A_118, %dma_start3A_119] : memref<32x64x8xi32, #tpu.memory_space<hbm>> -> memref<1x64x8xi32, #tpu.memory_space<hbm>>
      %dma_start3A_121 = tpu.memref_squeeze %dma_start3A_120 : memref<1x64x8xi32, #tpu.memory_space<hbm>> -> memref<64x8xi32, #tpu.memory_space<hbm>>
      %dma_start3A_122 = arith.constant 0 : i32
      %dma_start3A_123 = arith.constant 0 : i32
      %dma_start3A_124 = tpu.memref_slice %arg2[%add3A, %dma_start3A_122, %dma_start3A_123] : memref<32x64x8xi32, #tpu.memory_space<hbm>> -> memref<1x64x8xi32, #tpu.memory_space<hbm>>
      %dma_start3A_125 = tpu.memref_squeeze %dma_start3A_124 : memref<1x64x8xi32, #tpu.memory_space<hbm>> -> memref<64x8xi32, #tpu.memory_space<hbm>>
      tpu.enqueue_dma source(%dma_start3A_125 : memref<64x8xi32, #tpu.memory_space<hbm>>) target(%arg5 : memref<64x8xi32, #tpu.memory_space<vmem>>) target_semaphore(%run_scoped3A : memref<!tpu.dma_semaphore, #tpu.memory_space<semaphore_mem>>)
      %dma_wait3A_126 = arith.constant 0 : i32
      %dma_wait3A_127 = arith.constant 0 : i32
      %dma_wait3A_128 = tpu.memref_slice %arg2[%add3A, %dma_wait3A_126, %dma_wait3A_127] : memref<32x64x8xi32, #tpu.memory_space<hbm>> -> memref<1x64x8xi32, #tpu.memory_space<hbm>>
      %dma_wait3A_129 = tpu.memref_squeeze %dma_wait3A_128 : memref<1x64x8xi32, #tpu.memory_space<hbm>> -> memref<64x8xi32, #tpu.memory_space<hbm>>
      %dma_wait3A_130 = arith.constant 0 : i32
      %dma_wait3A_131 = arith.constant 0 : i32
      %dma_wait3A_132 = tpu.memref_slice %arg2[%add3A, %dma_wait3A_130, %dma_wait3A_131] : memref<32x64x8xi32, #tpu.memory_space<hbm>> -> memref<1x64x8xi32, #tpu.memory_space<hbm>>
      %dma_wait3A_133 = tpu.memref_squeeze %dma_wait3A_132 : memref<1x64x8xi32, #tpu.memory_space<hbm>> -> memref<64x8xi32, #tpu.memory_space<hbm>>
      tpu.wait_dma2 semaphore(%run_scoped3A : memref<!tpu.dma_semaphore, #tpu.memory_space<semaphore_mem>>) src(%dma_wait3A_133 : memref<64x8xi32, #tpu.memory_space<hbm>>) dst(%arg5 : memref<64x8xi32, #tpu.memory_space<vmem>>)
      tpu.yield
    }) : () -> ()
    %dma_start3A = arith.constant 0 : i32
    %dma_start3A_3 = arith.constant 0 : i32
    %dma_start3A_4 = tpu.memref_slice %arg5[%dma_start3A, %dma_start3A_3] : memref<64x8xi32, #tpu.memory_space<vmem>> -> memref<1x8xi32, #tpu.memory_space<vmem>>
    %dma_start3A_5 = tpu.memref_squeeze %dma_start3A_4 : memref<1x8xi32, #tpu.memory_space<vmem>> -> memref<8xi32, #tpu.memory_space<vmem>>
    %dma_start3A_6 = arith.constant 0 : i32
    %dma_start3A_7 = arith.constant 0 : i32
    %dma_start3A_8 = tpu.memref_slice %arg3[%dma_start3A_6, %dma_start3A_7] : memref<100352x2048xf32, #tpu.memory_space<hbm>> -> memref<100352x2048xf32, #tpu.memory_space<hbm>>
    tpu.enqueue_indirect_dma source(%dma_start3A_8 : memref<100352x2048xf32, #tpu.memory_space<hbm>>) target(%arg6 : memref<8x2048xf32, #tpu.memory_space<vmem>>) offsets(%dma_start3A_5 : memref<8xi32, #tpu.memory_space<vmem>>) semaphore(%arg10 : memref<!tpu.dma_semaphore, #tpu.memory_space<semaphore_mem>>)
    %dma_start3A_9 = arith.constant 1 : i32
    %dma_start3A_10 = arith.constant 0 : i32
    %dma_start3A_11 = tpu.memref_slice %arg5[%dma_start3A_9, %dma_start3A_10] : memref<64x8xi32, #tpu.memory_space<vmem>> -> memref<1x8xi32, #tpu.memory_space<vmem>>
    %dma_start3A_12 = tpu.memref_squeeze %dma_start3A_11 : memref<1x8xi32, #tpu.memory_space<vmem>> -> memref<8xi32, #tpu.memory_space<vmem>>
    %dma_start3A_13 = arith.constant 0 : i32
    %dma_start3A_14 = arith.constant 0 : i32
    %dma_start3A_15 = tpu.memref_slice %arg3[%dma_start3A_13, %dma_start3A_14] : memref<100352x2048xf32, #tpu.memory_space<hbm>> -> memref<100352x2048xf32, #tpu.memory_space<hbm>>
    tpu.enqueue_indirect_dma source(%dma_start3A_15 : memref<100352x2048xf32, #tpu.memory_space<hbm>>) target(%arg7 : memref<8x2048xf32, #tpu.memory_space<vmem>>) offsets(%dma_start3A_12 : memref<8xi32, #tpu.memory_space<vmem>>) semaphore(%arg11 : memref<!tpu.dma_semaphore, #tpu.memory_space<semaphore_mem>>)
    %dma_start3A_16 = arith.constant 2 : i32
    %dma_start3A_17 = arith.constant 0 : i32
    %dma_start3A_18 = tpu.memref_slice %arg5[%dma_start3A_16, %dma_start3A_17] : memref<64x8xi32, #tpu.memory_space<vmem>> -> memref<1x8xi32, #tpu.memory_space<vmem>>
    %dma_start3A_19 = tpu.memref_squeeze %dma_start3A_18 : memref<1x8xi32, #tpu.memory_space<vmem>> -> memref<8xi32, #tpu.memory_space<vmem>>
    %dma_start3A_20 = arith.constant 0 : i32
    %dma_start3A_21 = arith.constant 0 : i32
    %dma_start3A_22 = tpu.memref_slice %arg3[%dma_start3A_20, %dma_start3A_21] : memref<100352x2048xf32, #tpu.memory_space<hbm>> -> memref<100352x2048xf32, #tpu.memory_space<hbm>>
    tpu.enqueue_indirect_dma source(%dma_start3A_22 : memref<100352x2048xf32, #tpu.memory_space<hbm>>) target(%arg8 : memref<8x2048xf32, #tpu.memory_space<vmem>>) offsets(%dma_start3A_19 : memref<8xi32, #tpu.memory_space<vmem>>) semaphore(%arg12 : memref<!tpu.dma_semaphore, #tpu.memory_space<semaphore_mem>>)
    %dma_start3A_23 = arith.constant 3 : i32
    %dma_start3A_24 = arith.constant 0 : i32
    %dma_start3A_25 = tpu.memref_slice %arg5[%dma_start3A_23, %dma_start3A_24] : memref<64x8xi32, #tpu.memory_space<vmem>> -> memref<1x8xi32, #tpu.memory_space<vmem>>
    %dma_start3A_26 = tpu.memref_squeeze %dma_start3A_25 : memref<1x8xi32, #tpu.memory_space<vmem>> -> memref<8xi32, #tpu.memory_space<vmem>>
    %dma_start3A_27 = arith.constant 0 : i32
    %dma_start3A_28 = arith.constant 0 : i32
    %dma_start3A_29 = tpu.memref_slice %arg3[%dma_start3A_27, %dma_start3A_28] : memref<100352x2048xf32, #tpu.memory_space<hbm>> -> memref<100352x2048xf32, #tpu.memory_space<hbm>>
    tpu.enqueue_indirect_dma source(%dma_start3A_29 : memref<100352x2048xf32, #tpu.memory_space<hbm>>) target(%arg9 : memref<8x2048xf32, #tpu.memory_space<vmem>>) offsets(%dma_start3A_26 : memref<8xi32, #tpu.memory_space<vmem>>) semaphore(%arg13 : memref<!tpu.dma_semaphore, #tpu.memory_space<semaphore_mem>>)
    %scan3A = arith.constant 0 : i32
    %scan3A_30 = arith.constant 0 : i32
    %scan3A_31 = arith.constant 15 : i32
    %scan3A_32 = arith.addi %scan3A_30, %scan3A_31 : i32
    %scan3A_33 = arith.constant 1 : i32
    scf.for %scan3A_118 = %scan3A_30 to %scan3A_32 step %scan3A_33  : i32 {
      %mul3A_119 = arith.constant 4 : i32
      %mul3A_120 = arith.muli %scan3A_118, %mul3A_119 : i32
      %add3A_121 = arith.constant 0 : i32
      %add3A_122 = arith.addi %mul3A_120, %add3A_121 : i32
      %dma_wait3A_123 = arith.constant 0 : i32
      %dma_wait3A_124 = tpu.memref_slice %arg5[%add3A_122, %dma_wait3A_123] : memref<64x8xi32, #tpu.memory_space<vmem>> -> memref<1x8xi32, #tpu.memory_space<vmem>>
      %dma_wait3A_125 = tpu.memref_squeeze %dma_wait3A_124 : memref<1x8xi32, #tpu.memory_space<vmem>> -> memref<8xi32, #tpu.memory_space<vmem>>
      %dma_wait3A_126 = arith.constant 0 : i32
      %dma_wait3A_127 = arith.constant 0 : i32
      %dma_wait3A_128 = tpu.memref_slice %arg3[%dma_wait3A_126, %dma_wait3A_127] : memref<100352x2048xf32, #tpu.memory_space<hbm>> -> memref<100352x2048xf32, #tpu.memory_space<hbm>>
      tpu.wait_indirect_dma semaphore(%arg10 : memref<!tpu.dma_semaphore, #tpu.memory_space<semaphore_mem>>) src(%dma_wait3A_128 : memref<100352x2048xf32, #tpu.memory_space<hbm>>) dst(%arg6 : memref<8x2048xf32, #tpu.memory_space<vmem>>)
      %add3A_129 = arith.constant 0 : i32
      %add3A_130 = arith.addi %mul3A_120, %add3A_129 : i32
      %mul3A_131 = arith.constant 8 : i32
      %mul3A_132 = arith.muli %add3A_130, %mul3A_131 : i32
      %multiple_of3A_133 = tpu.assume_multiple %mul3A_132, 8 : i32
      %add3A_134 = arith.addi %multiple_of3A, %multiple_of3A_133 : i32
      %dma_start3A_135 = arith.constant 0 : i32
      %dma_start3A_136 = tpu.memref_slice %arg4[%add3A_134, %dma_start3A_135] : memref<16384x2048xf32, #tpu.memory_space<hbm>> -> memref<8x2048xf32, #tpu.memory_space<hbm>>
      %dma_start3A_137 = arith.constant 0 : i32
      %dma_start3A_138 = tpu.memref_slice %arg4[%add3A_134, %dma_start3A_137] : memref<16384x2048xf32, #tpu.memory_space<hbm>> -> memref<8x2048xf32, #tpu.memory_space<hbm>>
      tpu.enqueue_dma source(%arg6 : memref<8x2048xf32, #tpu.memory_space<vmem>>) target(%dma_start3A_138 : memref<8x2048xf32, #tpu.memory_space<hbm>>) target_semaphore(%arg14 : memref<!tpu.dma_semaphore, #tpu.memory_space<semaphore_mem>>)
      %add3A_139 = arith.constant 1 : i32
      %add3A_140 = arith.addi %mul3A_120, %add3A_139 : i32
      %dma_wait3A_141 = arith.constant 0 : i32
      %dma_wait3A_142 = tpu.memref_slice %arg5[%add3A_140, %dma_wait3A_141] : memref<64x8xi32, #tpu.memory_space<vmem>> -> memref<1x8xi32, #tpu.memory_space<vmem>>
      %dma_wait3A_143 = tpu.memref_squeeze %dma_wait3A_142 : memref<1x8xi32, #tpu.memory_space<vmem>> -> memref<8xi32, #tpu.memory_space<vmem>>
      %dma_wait3A_144 = arith.constant 0 : i32
      %dma_wait3A_145 = arith.constant 0 : i32
      %dma_wait3A_146 = tpu.memref_slice %arg3[%dma_wait3A_144, %dma_wait3A_145] : memref<100352x2048xf32, #tpu.memory_space<hbm>> -> memref<100352x2048xf32, #tpu.memory_space<hbm>>
      tpu.wait_indirect_dma semaphore(%arg11 : memref<!tpu.dma_semaphore, #tpu.memory_space<semaphore_mem>>) src(%dma_wait3A_146 : memref<100352x2048xf32, #tpu.memory_space<hbm>>) dst(%arg7 : memref<8x2048xf32, #tpu.memory_space<vmem>>)
      %add3A_147 = arith.constant 1 : i32
      %add3A_148 = arith.addi %mul3A_120, %add3A_147 : i32
      %mul3A_149 = arith.constant 8 : i32
      %mul3A_150 = arith.muli %add3A_148, %mul3A_149 : i32
      %multiple_of3A_151 = tpu.assume_multiple %mul3A_150, 8 : i32
      %add3A_152 = arith.addi %multiple_of3A, %multiple_of3A_151 : i32
      %dma_start3A_153 = arith.constant 0 : i32
      %dma_start3A_154 = tpu.memref_slice %arg4[%add3A_152, %dma_start3A_153] : memref<16384x2048xf32, #tpu.memory_space<hbm>> -> memref<8x2048xf32, #tpu.memory_space<hbm>>
      %dma_start3A_155 = arith.constant 0 : i32
      %dma_start3A_156 = tpu.memref_slice %arg4[%add3A_152, %dma_start3A_155] : memref<16384x2048xf32, #tpu.memory_space<hbm>> -> memref<8x2048xf32, #tpu.memory_space<hbm>>
      tpu.enqueue_dma source(%arg7 : memref<8x2048xf32, #tpu.memory_space<vmem>>) target(%dma_start3A_156 : memref<8x2048xf32, #tpu.memory_space<hbm>>) target_semaphore(%arg15 : memref<!tpu.dma_semaphore, #tpu.memory_space<semaphore_mem>>)
      %add3A_157 = arith.constant 2 : i32
      %add3A_158 = arith.addi %mul3A_120, %add3A_157 : i32
      %dma_wait3A_159 = arith.constant 0 : i32
      %dma_wait3A_160 = tpu.memref_slice %arg5[%add3A_158, %dma_wait3A_159] : memref<64x8xi32, #tpu.memory_space<vmem>> -> memref<1x8xi32, #tpu.memory_space<vmem>>
      %dma_wait3A_161 = tpu.memref_squeeze %dma_wait3A_160 : memref<1x8xi32, #tpu.memory_space<vmem>> -> memref<8xi32, #tpu.memory_space<vmem>>
      %dma_wait3A_162 = arith.constant 0 : i32
      %dma_wait3A_163 = arith.constant 0 : i32
      %dma_wait3A_164 = tpu.memref_slice %arg3[%dma_wait3A_162, %dma_wait3A_163] : memref<100352x2048xf32, #tpu.memory_space<hbm>> -> memref<100352x2048xf32, #tpu.memory_space<hbm>>
      tpu.wait_indirect_dma semaphore(%arg12 : memref<!tpu.dma_semaphore, #tpu.memory_space<semaphore_mem>>) src(%dma_wait3A_164 : memref<100352x2048xf32, #tpu.memory_space<hbm>>) dst(%arg8 : memref<8x2048xf32, #tpu.memory_space<vmem>>)
      %add3A_165 = arith.constant 2 : i32
      %add3A_166 = arith.addi %mul3A_120, %add3A_165 : i32
      %mul3A_167 = arith.constant 8 : i32
      %mul3A_168 = arith.muli %add3A_166, %mul3A_167 : i32
      %multiple_of3A_169 = tpu.assume_multiple %mul3A_168, 8 : i32
      %add3A_170 = arith.addi %multiple_of3A, %multiple_of3A_169 : i32
      %dma_start3A_171 = arith.constant 0 : i32
      %dma_start3A_172 = tpu.memref_slice %arg4[%add3A_170, %dma_start3A_171] : memref<16384x2048xf32, #tpu.memory_space<hbm>> -> memref<8x2048xf32, #tpu.memory_space<hbm>>
      %dma_start3A_173 = arith.constant 0 : i32
      %dma_start3A_174 = tpu.memref_slice %arg4[%add3A_170, %dma_start3A_173] : memref<16384x2048xf32, #tpu.memory_space<hbm>> -> memref<8x2048xf32, #tpu.memory_space<hbm>>
      tpu.enqueue_dma source(%arg8 : memref<8x2048xf32, #tpu.memory_space<vmem>>) target(%dma_start3A_174 : memref<8x2048xf32, #tpu.memory_space<hbm>>) target_semaphore(%arg16 : memref<!tpu.dma_semaphore, #tpu.memory_space<semaphore_mem>>)
      %add3A_175 = arith.constant 3 : i32
      %add3A_176 = arith.addi %mul3A_120, %add3A_175 : i32
      %dma_wait3A_177 = arith.constant 0 : i32
      %dma_wait3A_178 = tpu.memref_slice %arg5[%add3A_176, %dma_wait3A_177] : memref<64x8xi32, #tpu.memory_space<vmem>> -> memref<1x8xi32, #tpu.memory_space<vmem>>
      %dma_wait3A_179 = tpu.memref_squeeze %dma_wait3A_178 : memref<1x8xi32, #tpu.memory_space<vmem>> -> memref<8xi32, #tpu.memory_space<vmem>>
      %dma_wait3A_180 = arith.constant 0 : i32
      %dma_wait3A_181 = arith.constant 0 : i32
      %dma_wait3A_182 = tpu.memref_slice %arg3[%dma_wait3A_180, %dma_wait3A_181] : memref<100352x2048xf32, #tpu.memory_space<hbm>> -> memref<100352x2048xf32, #tpu.memory_space<hbm>>
      tpu.wait_indirect_dma semaphore(%arg13 : memref<!tpu.dma_semaphore, #tpu.memory_space<semaphore_mem>>) src(%dma_wait3A_182 : memref<100352x2048xf32, #tpu.memory_space<hbm>>) dst(%arg9 : memref<8x2048xf32, #tpu.memory_space<vmem>>)
      %add3A_183 = arith.constant 3 : i32
      %add3A_184 = arith.addi %mul3A_120, %add3A_183 : i32
      %mul3A_185 = arith.constant 8 : i32
      %mul3A_186 = arith.muli %add3A_184, %mul3A_185 : i32
      %multiple_of3A_187 = tpu.assume_multiple %mul3A_186, 8 : i32
      %add3A_188 = arith.addi %multiple_of3A, %multiple_of3A_187 : i32
      %dma_start3A_189 = arith.constant 0 : i32
      %dma_start3A_190 = tpu.memref_slice %arg4[%add3A_188, %dma_start3A_189] : memref<16384x2048xf32, #tpu.memory_space<hbm>> -> memref<8x2048xf32, #tpu.memory_space<hbm>>
      %dma_start3A_191 = arith.constant 0 : i32
      %dma_start3A_192 = tpu.memref_slice %arg4[%add3A_188, %dma_start3A_191] : memref<16384x2048xf32, #tpu.memory_space<hbm>> -> memref<8x2048xf32, #tpu.memory_space<hbm>>
      tpu.enqueue_dma source(%arg9 : memref<8x2048xf32, #tpu.memory_space<vmem>>) target(%dma_start3A_192 : memref<8x2048xf32, #tpu.memory_space<hbm>>) target_semaphore(%arg17 : memref<!tpu.dma_semaphore, #tpu.memory_space<semaphore_mem>>)
      %add3A_193 = arith.constant 0 : i32
      %add3A_194 = arith.addi %mul3A_120, %add3A_193 : i32
      %mul3A_195 = arith.constant 8 : i32
      %mul3A_196 = arith.muli %add3A_194, %mul3A_195 : i32
      %multiple_of3A_197 = tpu.assume_multiple %mul3A_196, 8 : i32
      %add3A_198 = arith.addi %multiple_of3A, %multiple_of3A_197 : i32
      %dma_wait3A_199 = arith.constant 0 : i32
      %dma_wait3A_200 = tpu.memref_slice %arg4[%add3A_198, %dma_wait3A_199] : memref<16384x2048xf32, #tpu.memory_space<hbm>> -> memref<8x2048xf32, #tpu.memory_space<hbm>>
      %dma_wait3A_201 = arith.constant 0 : i32
      %dma_wait3A_202 = tpu.memref_slice %arg4[%add3A_198, %dma_wait3A_201] : memref<16384x2048xf32, #tpu.memory_space<hbm>> -> memref<8x2048xf32, #tpu.memory_space<hbm>>
      tpu.wait_dma2 semaphore(%arg14 : memref<!tpu.dma_semaphore, #tpu.memory_space<semaphore_mem>>) src(%arg6 : memref<8x2048xf32, #tpu.memory_space<vmem>>) dst(%dma_wait3A_202 : memref<8x2048xf32, #tpu.memory_space<hbm>>)
      %add3A_203 = arith.constant 4 : i32
      %add3A_204 = arith.addi %mul3A_120, %add3A_203 : i32
      %add3A_205 = arith.constant 0 : i32
      %add3A_206 = arith.addi %add3A_204, %add3A_205 : i32
      %dma_start3A_207 = arith.constant 0 : i32
      %dma_start3A_208 = tpu.memref_slice %arg5[%add3A_206, %dma_start3A_207] : memref<64x8xi32, #tpu.memory_space<vmem>> -> memref<1x8xi32, #tpu.memory_space<vmem>>
      %dma_start3A_209 = tpu.memref_squeeze %dma_start3A_208 : memref<1x8xi32, #tpu.memory_space<vmem>> -> memref<8xi32, #tpu.memory_space<vmem>>
      %dma_start3A_210 = arith.constant 0 : i32
      %dma_start3A_211 = arith.constant 0 : i32
      %dma_start3A_212 = tpu.memref_slice %arg3[%dma_start3A_210, %dma_start3A_211] : memref<100352x2048xf32, #tpu.memory_space<hbm>> -> memref<100352x2048xf32, #tpu.memory_space<hbm>>
      tpu.enqueue_indirect_dma source(%dma_start3A_212 : memref<100352x2048xf32, #tpu.memory_space<hbm>>) target(%arg6 : memref<8x2048xf32, #tpu.memory_space<vmem>>) offsets(%dma_start3A_209 : memref<8xi32, #tpu.memory_space<vmem>>) semaphore(%arg10 : memref<!tpu.dma_semaphore, #tpu.memory_space<semaphore_mem>>)
      %add3A_213 = arith.constant 1 : i32
      %add3A_214 = arith.addi %mul3A_120, %add3A_213 : i32
      %mul3A_215 = arith.constant 8 : i32
      %mul3A_216 = arith.muli %add3A_214, %mul3A_215 : i32
      %multiple_of3A_217 = tpu.assume_multiple %mul3A_216, 8 : i32
      %add3A_218 = arith.addi %multiple_of3A, %multiple_of3A_217 : i32
      %dma_wait3A_219 = arith.constant 0 : i32
      %dma_wait3A_220 = tpu.memref_slice %arg4[%add3A_218, %dma_wait3A_219] : memref<16384x2048xf32, #tpu.memory_space<hbm>> -> memref<8x2048xf32, #tpu.memory_space<hbm>>
      %dma_wait3A_221 = arith.constant 0 : i32
      %dma_wait3A_222 = tpu.memref_slice %arg4[%add3A_218, %dma_wait3A_221] : memref<16384x2048xf32, #tpu.memory_space<hbm>> -> memref<8x2048xf32, #tpu.memory_space<hbm>>
      tpu.wait_dma2 semaphore(%arg15 : memref<!tpu.dma_semaphore, #tpu.memory_space<semaphore_mem>>) src(%arg7 : memref<8x2048xf32, #tpu.memory_space<vmem>>) dst(%dma_wait3A_222 : memref<8x2048xf32, #tpu.memory_space<hbm>>)
      %add3A_223 = arith.constant 4 : i32
      %add3A_224 = arith.addi %mul3A_120, %add3A_223 : i32
      %add3A_225 = arith.constant 1 : i32
      %add3A_226 = arith.addi %add3A_224, %add3A_225 : i32
      %dma_start3A_227 = arith.constant 0 : i32
      %dma_start3A_228 = tpu.memref_slice %arg5[%add3A_226, %dma_start3A_227] : memref<64x8xi32, #tpu.memory_space<vmem>> -> memref<1x8xi32, #tpu.memory_space<vmem>>
      %dma_start3A_229 = tpu.memref_squeeze %dma_start3A_228 : memref<1x8xi32, #tpu.memory_space<vmem>> -> memref<8xi32, #tpu.memory_space<vmem>>
      %dma_start3A_230 = arith.constant 0 : i32
      %dma_start3A_231 = arith.constant 0 : i32
      %dma_start3A_232 = tpu.memref_slice %arg3[%dma_start3A_230, %dma_start3A_231] : memref<100352x2048xf32, #tpu.memory_space<hbm>> -> memref<100352x2048xf32, #tpu.memory_space<hbm>>
      tpu.enqueue_indirect_dma source(%dma_start3A_232 : memref<100352x2048xf32, #tpu.memory_space<hbm>>) target(%arg7 : memref<8x2048xf32, #tpu.memory_space<vmem>>) offsets(%dma_start3A_229 : memref<8xi32, #tpu.memory_space<vmem>>) semaphore(%arg11 : memref<!tpu.dma_semaphore, #tpu.memory_space<semaphore_mem>>)
      %add3A_233 = arith.constant 2 : i32
      %add3A_234 = arith.addi %mul3A_120, %add3A_233 : i32
      %mul3A_235 = arith.constant 8 : i32
      %mul3A_236 = arith.muli %add3A_234, %mul3A_235 : i32
      %multiple_of3A_237 = tpu.assume_multiple %mul3A_236, 8 : i32
      %add3A_238 = arith.addi %multiple_of3A, %multiple_of3A_237 : i32
      %dma_wait3A_239 = arith.constant 0 : i32
      %dma_wait3A_240 = tpu.memref_slice %arg4[%add3A_238, %dma_wait3A_239] : memref<16384x2048xf32, #tpu.memory_space<hbm>> -> memref<8x2048xf32, #tpu.memory_space<hbm>>
      %dma_wait3A_241 = arith.constant 0 : i32
      %dma_wait3A_242 = tpu.memref_slice %arg4[%add3A_238, %dma_wait3A_241] : memref<16384x2048xf32, #tpu.memory_space<hbm>> -> memref<8x2048xf32, #tpu.memory_space<hbm>>
      tpu.wait_dma2 semaphore(%arg16 : memref<!tpu.dma_semaphore, #tpu.memory_space<semaphore_mem>>) src(%arg8 : memref<8x2048xf32, #tpu.memory_space<vmem>>) dst(%dma_wait3A_242 : memref<8x2048xf32, #tpu.memory_space<hbm>>)
      %add3A_243 = arith.constant 4 : i32
      %add3A_244 = arith.addi %mul3A_120, %add3A_243 : i32
      %add3A_245 = arith.constant 2 : i32
      %add3A_246 = arith.addi %add3A_244, %add3A_245 : i32
      %dma_start3A_247 = arith.constant 0 : i32
      %dma_start3A_248 = tpu.memref_slice %arg5[%add3A_246, %dma_start3A_247] : memref<64x8xi32, #tpu.memory_space<vmem>> -> memref<1x8xi32, #tpu.memory_space<vmem>>
      %dma_start3A_249 = tpu.memref_squeeze %dma_start3A_248 : memref<1x8xi32, #tpu.memory_space<vmem>> -> memref<8xi32, #tpu.memory_space<vmem>>
      %dma_start3A_250 = arith.constant 0 : i32
      %dma_start3A_251 = arith.constant 0 : i32
      %dma_start3A_252 = tpu.memref_slice %arg3[%dma_start3A_250, %dma_start3A_251] : memref<100352x2048xf32, #tpu.memory_space<hbm>> -> memref<100352x2048xf32, #tpu.memory_space<hbm>>
      tpu.enqueue_indirect_dma source(%dma_start3A_252 : memref<100352x2048xf32, #tpu.memory_space<hbm>>) target(%arg8 : memref<8x2048xf32, #tpu.memory_space<vmem>>) offsets(%dma_start3A_249 : memref<8xi32, #tpu.memory_space<vmem>>) semaphore(%arg12 : memref<!tpu.dma_semaphore, #tpu.memory_space<semaphore_mem>>)
      %add3A_253 = arith.constant 3 : i32
      %add3A_254 = arith.addi %mul3A_120, %add3A_253 : i32
      %mul3A_255 = arith.constant 8 : i32
      %mul3A_256 = arith.muli %add3A_254, %mul3A_255 : i32
      %multiple_of3A_257 = tpu.assume_multiple %mul3A_256, 8 : i32
      %add3A_258 = arith.addi %multiple_of3A, %multiple_of3A_257 : i32
      %dma_wait3A_259 = arith.constant 0 : i32
      %dma_wait3A_260 = tpu.memref_slice %arg4[%add3A_258, %dma_wait3A_259] : memref<16384x2048xf32, #tpu.memory_space<hbm>> -> memref<8x2048xf32, #tpu.memory_space<hbm>>
      %dma_wait3A_261 = arith.constant 0 : i32
      %dma_wait3A_262 = tpu.memref_slice %arg4[%add3A_258, %dma_wait3A_261] : memref<16384x2048xf32, #tpu.memory_space<hbm>> -> memref<8x2048xf32, #tpu.memory_space<hbm>>
      tpu.wait_dma2 semaphore(%arg17 : memref<!tpu.dma_semaphore, #tpu.memory_space<semaphore_mem>>) src(%arg9 : memref<8x2048xf32, #tpu.memory_space<vmem>>) dst(%dma_wait3A_262 : memref<8x2048xf32, #tpu.memory_space<hbm>>)
      %add3A_263 = arith.constant 4 : i32
      %add3A_264 = arith.addi %mul3A_120, %add3A_263 : i32
      %add3A_265 = arith.constant 3 : i32
      %add3A_266 = arith.addi %add3A_264, %add3A_265 : i32
      %dma_start3A_267 = arith.constant 0 : i32
      %dma_start3A_268 = tpu.memref_slice %arg5[%add3A_266, %dma_start3A_267] : memref<64x8xi32, #tpu.memory_space<vmem>> -> memref<1x8xi32, #tpu.memory_space<vmem>>
      %dma_start3A_269 = tpu.memref_squeeze %dma_start3A_268 : memref<1x8xi32, #tpu.memory_space<vmem>> -> memref<8xi32, #tpu.memory_space<vmem>>
      %dma_start3A_270 = arith.constant 0 : i32
      %dma_start3A_271 = arith.constant 0 : i32
      %dma_start3A_272 = tpu.memref_slice %arg3[%dma_start3A_270, %dma_start3A_271] : memref<100352x2048xf32, #tpu.memory_space<hbm>> -> memref<100352x2048xf32, #tpu.memory_space<hbm>>
      tpu.enqueue_indirect_dma source(%dma_start3A_272 : memref<100352x2048xf32, #tpu.memory_space<hbm>>) target(%arg9 : memref<8x2048xf32, #tpu.memory_space<vmem>>) offsets(%dma_start3A_269 : memref<8xi32, #tpu.memory_space<vmem>>) semaphore(%arg13 : memref<!tpu.dma_semaphore, #tpu.memory_space<semaphore_mem>>)
    }
    %scan3A_34 = arith.constant 15 : i32
    %dma_wait3A = arith.constant 60 : i32
    %dma_wait3A_35 = arith.constant 0 : i32
    %dma_wait3A_36 = tpu.memref_slice %arg5[%dma_wait3A, %dma_wait3A_35] : memref<64x8xi32, #tpu.memory_space<vmem>> -> memref<1x8xi32, #tpu.memory_space<vmem>>
    %dma_wait3A_37 = tpu.memref_squeeze %dma_wait3A_36 : memref<1x8xi32, #tpu.memory_space<vmem>> -> memref<8xi32, #tpu.memory_space<vmem>>
    %dma_wait3A_38 = arith.constant 0 : i32
    %dma_wait3A_39 = arith.constant 0 : i32
    %dma_wait3A_40 = tpu.memref_slice %arg3[%dma_wait3A_38, %dma_wait3A_39] : memref<100352x2048xf32, #tpu.memory_space<hbm>> -> memref<100352x2048xf32, #tpu.memory_space<hbm>>
    tpu.wait_indirect_dma semaphore(%arg10 : memref<!tpu.dma_semaphore, #tpu.memory_space<semaphore_mem>>) src(%dma_wait3A_40 : memref<100352x2048xf32, #tpu.memory_space<hbm>>) dst(%arg6 : memref<8x2048xf32, #tpu.memory_space<vmem>>)
    %multiple_of3A_41 = arith.constant 480 : i32
    %multiple_of3A_42 = tpu.assume_multiple %multiple_of3A_41, 8 : i32
    %add3A_43 = arith.addi %multiple_of3A, %multiple_of3A_42 : i32
    %dma_start3A_44 = arith.constant 0 : i32
    %dma_start3A_45 = tpu.memref_slice %arg4[%add3A_43, %dma_start3A_44] : memref<16384x2048xf32, #tpu.memory_space<hbm>> -> memref<8x2048xf32, #tpu.memory_space<hbm>>
    %dma_start3A_46 = arith.constant 0 : i32
    %dma_start3A_47 = tpu.memref_slice %arg4[%add3A_43, %dma_start3A_46] : memref<16384x2048xf32, #tpu.memory_space<hbm>> -> memref<8x2048xf32, #tpu.memory_space<hbm>>
    tpu.enqueue_dma source(%arg6 : memref<8x2048xf32, #tpu.memory_space<vmem>>) target(%dma_start3A_47 : memref<8x2048xf32, #tpu.memory_space<hbm>>) target_semaphore(%arg14 : memref<!tpu.dma_semaphore, #tpu.memory_space<semaphore_mem>>)
    %dma_wait3A_48 = arith.constant 61 : i32
    %dma_wait3A_49 = arith.constant 0 : i32
    %dma_wait3A_50 = tpu.memref_slice %arg5[%dma_wait3A_48, %dma_wait3A_49] : memref<64x8xi32, #tpu.memory_space<vmem>> -> memref<1x8xi32, #tpu.memory_space<vmem>>
    %dma_wait3A_51 = tpu.memref_squeeze %dma_wait3A_50 : memref<1x8xi32, #tpu.memory_space<vmem>> -> memref<8xi32, #tpu.memory_space<vmem>>
    %dma_wait3A_52 = arith.constant 0 : i32
    %dma_wait3A_53 = arith.constant 0 : i32
    %dma_wait3A_54 = tpu.memref_slice %arg3[%dma_wait3A_52, %dma_wait3A_53] : memref<100352x2048xf32, #tpu.memory_space<hbm>> -> memref<100352x2048xf32, #tpu.memory_space<hbm>>
    tpu.wait_indirect_dma semaphore(%arg11 : memref<!tpu.dma_semaphore, #tpu.memory_space<semaphore_mem>>) src(%dma_wait3A_54 : memref<100352x2048xf32, #tpu.memory_space<hbm>>) dst(%arg7 : memref<8x2048xf32, #tpu.memory_space<vmem>>)
    %multiple_of3A_55 = arith.constant 488 : i32
    %multiple_of3A_56 = tpu.assume_multiple %multiple_of3A_55, 8 : i32
    %add3A_57 = arith.addi %multiple_of3A, %multiple_of3A_56 : i32
    %dma_start3A_58 = arith.constant 0 : i32
    %dma_start3A_59 = tpu.memref_slice %arg4[%add3A_57, %dma_start3A_58] : memref<16384x2048xf32, #tpu.memory_space<hbm>> -> memref<8x2048xf32, #tpu.memory_space<hbm>>
    %dma_start3A_60 = arith.constant 0 : i32
    %dma_start3A_61 = tpu.memref_slice %arg4[%add3A_57, %dma_start3A_60] : memref<16384x2048xf32, #tpu.memory_space<hbm>> -> memref<8x2048xf32, #tpu.memory_space<hbm>>
    tpu.enqueue_dma source(%arg7 : memref<8x2048xf32, #tpu.memory_space<vmem>>) target(%dma_start3A_61 : memref<8x2048xf32, #tpu.memory_space<hbm>>) target_semaphore(%arg15 : memref<!tpu.dma_semaphore, #tpu.memory_space<semaphore_mem>>)
    %dma_wait3A_62 = arith.constant 62 : i32
    %dma_wait3A_63 = arith.constant 0 : i32
    %dma_wait3A_64 = tpu.memref_slice %arg5[%dma_wait3A_62, %dma_wait3A_63] : memref<64x8xi32, #tpu.memory_space<vmem>> -> memref<1x8xi32, #tpu.memory_space<vmem>>
    %dma_wait3A_65 = tpu.memref_squeeze %dma_wait3A_64 : memref<1x8xi32, #tpu.memory_space<vmem>> -> memref<8xi32, #tpu.memory_space<vmem>>
    %dma_wait3A_66 = arith.constant 0 : i32
    %dma_wait3A_67 = arith.constant 0 : i32
    %dma_wait3A_68 = tpu.memref_slice %arg3[%dma_wait3A_66, %dma_wait3A_67] : memref<100352x2048xf32, #tpu.memory_space<hbm>> -> memref<100352x2048xf32, #tpu.memory_space<hbm>>
    tpu.wait_indirect_dma semaphore(%arg12 : memref<!tpu.dma_semaphore, #tpu.memory_space<semaphore_mem>>) src(%dma_wait3A_68 : memref<100352x2048xf32, #tpu.memory_space<hbm>>) dst(%arg8 : memref<8x2048xf32, #tpu.memory_space<vmem>>)
    %multiple_of3A_69 = arith.constant 496 : i32
    %multiple_of3A_70 = tpu.assume_multiple %multiple_of3A_69, 8 : i32
    %add3A_71 = arith.addi %multiple_of3A, %multiple_of3A_70 : i32
    %dma_start3A_72 = arith.constant 0 : i32
    %dma_start3A_73 = tpu.memref_slice %arg4[%add3A_71, %dma_start3A_72] : memref<16384x2048xf32, #tpu.memory_space<hbm>> -> memref<8x2048xf32, #tpu.memory_space<hbm>>
    %dma_start3A_74 = arith.constant 0 : i32
    %dma_start3A_75 = tpu.memref_slice %arg4[%add3A_71, %dma_start3A_74] : memref<16384x2048xf32, #tpu.memory_space<hbm>> -> memref<8x2048xf32, #tpu.memory_space<hbm>>
    tpu.enqueue_dma source(%arg8 : memref<8x2048xf32, #tpu.memory_space<vmem>>) target(%dma_start3A_75 : memref<8x2048xf32, #tpu.memory_space<hbm>>) target_semaphore(%arg16 : memref<!tpu.dma_semaphore, #tpu.memory_space<semaphore_mem>>)
    %dma_wait3A_76 = arith.constant 63 : i32
    %dma_wait3A_77 = arith.constant 0 : i32
    %dma_wait3A_78 = tpu.memref_slice %arg5[%dma_wait3A_76, %dma_wait3A_77] : memref<64x8xi32, #tpu.memory_space<vmem>> -> memref<1x8xi32, #tpu.memory_space<vmem>>
    %dma_wait3A_79 = tpu.memref_squeeze %dma_wait3A_78 : memref<1x8xi32, #tpu.memory_space<vmem>> -> memref<8xi32, #tpu.memory_space<vmem>>
    %dma_wait3A_80 = arith.constant 0 : i32
    %dma_wait3A_81 = arith.constant 0 : i32
    %dma_wait3A_82 = tpu.memref_slice %arg3[%dma_wait3A_80, %dma_wait3A_81] : memref<100352x2048xf32, #tpu.memory_space<hbm>> -> memref<100352x2048xf32, #tpu.memory_space<hbm>>
    tpu.wait_indirect_dma semaphore(%arg13 : memref<!tpu.dma_semaphore, #tpu.memory_space<semaphore_mem>>) src(%dma_wait3A_82 : memref<100352x2048xf32, #tpu.memory_space<hbm>>) dst(%arg9 : memref<8x2048xf32, #tpu.memory_space<vmem>>)
    %multiple_of3A_83 = arith.constant 504 : i32
    %multiple_of3A_84 = tpu.assume_multiple %multiple_of3A_83, 8 : i32
    %add3A_85 = arith.addi %multiple_of3A, %multiple_of3A_84 : i32
    %dma_start3A_86 = arith.constant 0 : i32
    %dma_start3A_87 = tpu.memref_slice %arg4[%add3A_85, %dma_start3A_86] : memref<16384x2048xf32, #tpu.memory_space<hbm>> -> memref<8x2048xf32, #tpu.memory_space<hbm>>
    %dma_start3A_88 = arith.constant 0 : i32
    %dma_start3A_89 = tpu.memref_slice %arg4[%add3A_85, %dma_start3A_88] : memref<16384x2048xf32, #tpu.memory_space<hbm>> -> memref<8x2048xf32, #tpu.memory_space<hbm>>
    tpu.enqueue_dma source(%arg9 : memref<8x2048xf32, #tpu.memory_space<vmem>>) target(%dma_start3A_89 : memref<8x2048xf32, #tpu.memory_space<hbm>>) target_semaphore(%arg17 : memref<!tpu.dma_semaphore, #tpu.memory_space<semaphore_mem>>)
    %multiple_of3A_90 = arith.constant 480 : i32
    %multiple_of3A_91 = tpu.assume_multiple %multiple_of3A_90, 8 : i32
    %add3A_92 = arith.addi %multiple_of3A, %multiple_of3A_91 : i32
    %dma_wait3A_93 = arith.constant 0 : i32
    %dma_wait3A_94 = tpu.memref_slice %arg4[%add3A_92, %dma_wait3A_93] : memref<16384x2048xf32, #tpu.memory_space<hbm>> -> memref<8x2048xf32, #tpu.memory_space<hbm>>
    %dma_wait3A_95 = arith.constant 0 : i32
    %dma_wait3A_96 = tpu.memref_slice %arg4[%add3A_92, %dma_wait3A_95] : memref<16384x2048xf32, #tpu.memory_space<hbm>> -> memref<8x2048xf32, #tpu.memory_space<hbm>>
    tpu.wait_dma2 semaphore(%arg14 : memref<!tpu.dma_semaphore, #tpu.memory_space<semaphore_mem>>) src(%arg6 : memref<8x2048xf32, #tpu.memory_space<vmem>>) dst(%dma_wait3A_96 : memref<8x2048xf32, #tpu.memory_space<hbm>>)
    %multiple_of3A_97 = arith.constant 488 : i32
    %multiple_of3A_98 = tpu.assume_multiple %multiple_of3A_97, 8 : i32
    %add3A_99 = arith.addi %multiple_of3A, %multiple_of3A_98 : i32
    %dma_wait3A_100 = arith.constant 0 : i32
    %dma_wait3A_101 = tpu.memref_slice %arg4[%add3A_99, %dma_wait3A_100] : memref<16384x2048xf32, #tpu.memory_space<hbm>> -> memref<8x2048xf32, #tpu.memory_space<hbm>>
    %dma_wait3A_102 = arith.constant 0 : i32
    %dma_wait3A_103 = tpu.memref_slice %arg4[%add3A_99, %dma_wait3A_102] : memref<16384x2048xf32, #tpu.memory_space<hbm>> -> memref<8x2048xf32, #tpu.memory_space<hbm>>
    tpu.wait_dma2 semaphore(%arg15 : memref<!tpu.dma_semaphore, #tpu.memory_space<semaphore_mem>>) src(%arg7 : memref<8x2048xf32, #tpu.memory_space<vmem>>) dst(%dma_wait3A_103 : memref<8x2048xf32, #tpu.memory_space<hbm>>)
    %multiple_of3A_104 = arith.constant 496 : i32
    %multiple_of3A_105 = tpu.assume_multiple %multiple_of3A_104, 8 : i32
    %add3A_106 = arith.addi %multiple_of3A, %multiple_of3A_105 : i32
    %dma_wait3A_107 = arith.constant 0 : i32
    %dma_wait3A_108 = tpu.memref_slice %arg4[%add3A_106, %dma_wait3A_107] : memref<16384x2048xf32, #tpu.memory_space<hbm>> -> memref<8x2048xf32, #tpu.memory_space<hbm>>
    %dma_wait3A_109 = arith.constant 0 : i32
    %dma_wait3A_110 = tpu.memref_slice %arg4[%add3A_106, %dma_wait3A_109] : memref<16384x2048xf32, #tpu.memory_space<hbm>> -> memref<8x2048xf32, #tpu.memory_space<hbm>>
    tpu.wait_dma2 semaphore(%arg16 : memref<!tpu.dma_semaphore, #tpu.memory_space<semaphore_mem>>) src(%arg8 : memref<8x2048xf32, #tpu.memory_space<vmem>>) dst(%dma_wait3A_110 : memref<8x2048xf32, #tpu.memory_space<hbm>>)
    %multiple_of3A_111 = arith.constant 504 : i32
    %multiple_of3A_112 = tpu.assume_multiple %multiple_of3A_111, 8 : i32
    %add3A_113 = arith.addi %multiple_of3A, %multiple_of3A_112 : i32
    %dma_wait3A_114 = arith.constant 0 : i32
    %dma_wait3A_115 = tpu.memref_slice %arg4[%add3A_113, %dma_wait3A_114] : memref<16384x2048xf32, #tpu.memory_space<hbm>> -> memref<8x2048xf32, #tpu.memory_space<hbm>>
    %dma_wait3A_116 = arith.constant 0 : i32
    %dma_wait3A_117 = tpu.memref_slice %arg4[%add3A_113, %dma_wait3A_116] : memref<16384x2048xf32, #tpu.memory_space<hbm>> -> memref<8x2048xf32, #tpu.memory_space<hbm>>
    tpu.wait_dma2 semaphore(%arg17 : memref<!tpu.dma_semaphore, #tpu.memory_space<semaphore_mem>>) src(%arg9 : memref<8x2048xf32, #tpu.memory_space<vmem>>) dst(%dma_wait3A_117 : memref<8x2048xf32, #tpu.memory_space<hbm>>)
    return
  }
}

</mosaic_0001>

<sc_bundles>
// kernel: kernel.3.cloned.1.call-start
scs
__scs_entry_jumppad:
0x0: {  	(pc) =	sbr.rel $0x88, $3  }
0x1: {  	(tag) =	ssettag $0x0;
	lr =	simm.s32 $0x1  }
0x2: {  	[smem:$0x3F9F] =	sst lr;
	_ =	strace $0xD0000000  }
0x3: {  	_ = 	snop  }
0x4: {  	_ = 	snop  }
0x5: {  	_ = 	snop  }
0x6: {  	_ = 	snop  }
0x7: {  	_ = 	snop  }
__scs_overlays_trampoline_lowered:
0x8: {  	[smem:$0x3FAE] =	sst s0  }
0x9: {  	[smem:$0x3FAF] =	sst s1  }
0xa: {  	[smem:$0x3FB0] =	sst s2  }
0xb: {  	[smem:$0x3FB1] =	sst s3  }
0xc: {  	[smem:$0x3FB2] =	sst s4  }
0xd: {  	[smem:$0x3FB3] =	sst s5  }
0xe: {  	[smem:$0x3FB4] =	sst s6  }
0xf: {  	[smem:$0x3FB5] =	sst s7  }
0x10: {  	[smem:$0x3FB6] =	sst s8  }
0x11: {  	[smem:$0x3FB7] =	sst s9;
	s0 =	simm.s32 @!p0 $0x0  }
0x12: {  	s1 =	sld [smem:$0x3F9D];
	s0 =	simm.s32 @p0 $0x1  }
0x13: {  	[smem:$0x3FB8] =	sst s0;
	s0 =	simm.s32 @!p1 $0x0  }
0x14: {  	s2 =	sld [smem:$0x3F9C];
	s0 =	simm.s32 @p1 $0x1  }
0x15: {  	[smem:$0x3FB9] =	sst s0;
	s0 =	simm.s32 @!p2 $0x0  }
0x16: {  	s3 =	sld [smem:$0x3FDB];
	s0 =	simm.s32 @p2 $0x1  }
0x17: {  	s4 =	simm.s32 $0x1BF5;
	[smem:$0x3FBB] =	sst s0  }
0x18: {  	s0 =	sld [smem:$0x3F9E];
	_ =	swait.ge [sflag:s4], $0x0  }
0x19: {  	s7 =	sld [smem:$0x3F9F]  }
0x1a: {  	s8 =	sadd.s32 $0xFFFFE003, lr  }
0x1b: {  	s9 =	sadd.s32 $0xFFFFFEF7, lr;
	s5 =	simm.s32 $0xFFFFFFFF;
	p2 =	slt.u32 s8, $0xFFFFF086  }
0x1c: {  	p1 =	slt.u32 s9, $0xF7A;
	s5 =	simm.s32 @!p2 $0x0  }
0x1d: {  	s5 =	simm.s32 @p1 $0x1;
	p0 =	seq.s32 s7, s2  }
0x1e: {  	s7 =	smul.u32 @!p0 $0xF7A, s2;
	p2 =	seq.s32 @!p0 s5, $0x0  }
0x1f: {  	s9 =	smul.u32 $0xF7A, s1;
	s8 =	simm.s32 @!p0 $0x1BF5;
	p2 =	por !p2, p0  }
0x20: {  	[sflag:s8] =	ssyncset.s32 @!p0 $0xFFFFF086;
	s6 =	sadd.s32 @!p0 s3, s7;
	s7 =	simm.s32 @!p0 $0x108  }
0x21: {  	s3 =	sadd.s32 s3, s9;
	s6 =	sadd.s32 @!p0 $0x88, s6;
	s7 =	simm.s32 @p2 $0x1082  }
0x22: {  	[simem:s7], [sflag:s8] =	dma.local @!p0 [hbm:s6], $0xF7A  }
0x23: {  	s9 =	sor.u32 $0xD0000000, s2;
	s6 =	simm.s32 $0x108;
	_ =	swait.ge @!p0 [sflag:s8], $0x0  }
0x24: {  	s3 =	sadd.s32 $0x88, s3;
	s6 =	simm.s32 @!p1 $0x1082;
	[sflag:s4] =	ssyncset.s32 $0xFFFFF086  }
0x25: {  	[simem:s6], [sflag:s4] =	dma.local [hbm:s3], $0xF7A  }
0x26: {  	[smem:$0x3F9F] =	sst s1;
	(tag) =	ssettag s2;
	_ =	strace s9  }
0x27: {  	s1 =	sld [smem:$0x3FAF]  }
0x28: {  	s2 =	sld [smem:$0x3FB0]  }
0x29: {  	s4 =	sld [smem:$0x3FB2]  }
0x2a: {  	p0 =	seq.s32 s5, $0x0;
	s5 =	sld [smem:$0x3FB3]  }
0x2b: {  	s6 =	sld [smem:$0x3FB4]  }
0x2c: {  	s7 =	sld [smem:$0x3FB5]  }
0x2d: {  	s3 =	simm.s32 $0x108;
	s8 =	sld [smem:$0x3FB6]  }
0x2e: {  	s3 =	simm.s32 @!p0 $0x1082;
	s9 =	sld [smem:$0x3FB7]  }
0x2f: {  	lr =	sadd.s32 s0, s3;
	s0 =	sld [smem:$0x3FAE]  }
0x30: {  	s3 =	sld [smem:$0x3FB1]  }
0x31: {  	[smem:$0x3FBA] =	sst s10  }
0x32: {  	s10 =	sld [smem:$0x3FB8];
	_ =	sdelay $0x3  }
0x33: {  	p0 =	seq.s32 s10, $0x1;
	s10 =	sld [smem:$0x3FBA];
	_ =	sdelay $0x3  }
0x34: {  	[smem:$0x3FBA] =	sst s10  }
0x35: {  	s10 =	sld [smem:$0x3FB9];
	_ =	sdelay $0x3  }
0x36: {  	p1 =	seq.s32 s10, $0x1;
	s10 =	sld [smem:$0x3FBA];
	_ =	sdelay $0x3  }
0x37: {  	[smem:$0x3FBA] =	sst s10  }
0x38: {  	s10 =	sld [smem:$0x3FBB]  }
0x39: {  	_ = 	snop;
	(pc) =	sbr.ind lr, $3  }
0x3a: {  	_ = 	snop  }
0x3b: {  	_ = 	snop  }
0x3c: {  	p2 =	seq.s32 s10, $0x1;
	s10 =	sld [smem:$0x3FBA]  }
0x3d: {  	_ =	shalt  }
0x3e: {  	_ =	shalt  }
0x3f: {  	_ =	shalt  }
0x40: {  	_ =	shalt  }
0x41: {  	_ =	shalt  }
0x42: {  	_ =	shalt  }
0x43: {  	_ =	shalt  }
0x44: {  	_ =	shalt  }
0x45: {  	_ =	shalt  }
0x46: {  	_ =	shalt  }
0x47: {  	_ =	shalt  }
0x48: {  	_ =	shalt  }
0x49: {  	_ =	shalt  }
0x4a: {  	_ =	shalt  }
0x4b: {  	_ =	shalt  }
0x4c: {  	_ =	shalt  }
0x4d: {  	_ =	shalt  }
0x4e: {  	_ =	shalt  }
0x4f: {  	_ =	shalt  }
0x50: {  	_ =	shalt  }
0x51: {  	_ =	shalt  }
0x52: {  	_ =	shalt  }
0x53: {  	_ =	shalt  }
0x54: {  	_ =	shalt  }
0x55: {  	_ =	shalt  }
0x56: {  	_ =	shalt  }
0x57: {  	_ =	shalt  }
0x58: {  	_ =	shalt  }
0x59: {  	_ =	shalt  }
0x5a: {  	_ =	shalt  }
0x5b: {  	_ =	shalt  }
0x5c: {  	_ =	shalt  }
0x5d: {  	_ =	shalt  }
0x5e: {  	_ =	shalt  }
0x5f: {  	_ =	shalt  }
0x60: {  	_ =	shalt  }
0x61: {  	_ =	shalt  }
0x62: {  	_ =	shalt  }
0x63: {  	_ =	shalt  }
0x64: {  	_ =	shalt  }
0x65: {  	_ =	shalt  }
0x66: {  	_ =	shalt  }
0x67: {  	_ =	shalt  }
0x68: {  	_ =	shalt  }
0x69: {  	_ =	shalt  }
0x6a: {  	_ =	shalt  }
0x6b: {  	_ =	shalt  }
0x6c: {  	_ =	shalt  }
0x6d: {  	_ =	shalt  }
0x6e: {  	_ =	shalt  }
0x6f: {  	_ =	shalt  }
0x70: {  	_ =	shalt  }
0x71: {  	_ =	shalt  }
0x72: {  	_ =	shalt  }
0x73: {  	_ =	shalt  }
0x74: {  	_ =	shalt  }
0x75: {  	_ =	shalt  }
0x76: {  	_ =	shalt  }
0x77: {  	_ =	shalt  }
0x78: {  	_ =	shalt  }
0x79: {  	_ =	shalt  }
0x7a: {  	_ =	shalt  }
0x7b: {  	_ =	shalt  }
0x7c: {  	_ =	shalt  }
0x7d: {  	_ =	shalt  }
0x7e: {  	_ =	shalt  }
0x7f: {  	_ =	shalt  }
0x80: {  	_ =	shalt  }
0x81: {  	_ =	shalt  }
0x82: {  	_ =	shalt  }
0x83: {  	_ =	shalt  }
0x84: {  	_ =	shalt  }
0x85: {  	_ =	shalt  }
0x86: {  	_ =	shalt  }
0x87: {  	_ =	shalt  }
.Lfunc_end0:
.L_simem_size_0:
called_computation_lowered:
.L_overlay_start_0:
0x88: {  	s2 =	sld [smem:$0x3FD9]  }
0x89: {  	s3 =	sld [smem:$0x3FFE];
	_ =	sdelay $0x1  }
0x8a: {  	s1 =	srdreg.scid  }
0x8b: {  	s0 =	sand.u32 $0x1, s1  }
0x8c: {  	s17 =	sshll.u32 s0, $0xA;
	s2 =	sadd.s32 s3, s2  }
0x8d: {  	s2 =	sadd.s32 s2, s17  }
0x8e: {  	[smem:$0x3FC6] =	sst s2  }
0x8f: {  	_ = 	snop  }
0x90: {  	s2 =	sld [smem:$0x3FC8]  }
0x91: {  	s18 =	sld [smem:$0x3FD0];
	(tm) =	ssettm $0x1  }
0x92: {  	s4 =	sld [smem:$0x3FFB];
	_ =	sdelay $0x3  }
0x93: {  	_ =	strace s4  }
0x94: {  	s4 =	sld [smem:$0x3FFC];
	_ =	sdelay $0x3  }
0x95: {  	_ =	strace s4  }
0x96: {  	s4 =	sld [smem:$0x3FFD];
	_ =	sdelay $0x3  }
0x97: {  	_ =	strace s4  }
0x98: {  	_ =	strace $0x8FFFFFFF  }
0x99: {  	s19 =	sld [smem:$0x3FDB];
	_ =	sdelay $0x1  }
0x9a: {  	s5 =	simm.s32 $_scs_section_size  }
0x9b: {  	s6 =	simm.s32 $_size__tile_overlayer_lowered;
	s7 =	simm.s32 $_tile_overlayer_lowered  }
0x9c: {  	s22 =	simm.s32 $0x1BFF;
	s21 =	sshll.u32 s7, $0x1;
	s4 =	sadd.s32 s5, s19  }
0x9d: {  	s8 =	simm.s32 $0x0;
	s20 =	sshll.u32 s6, $0x1;
	s6 =	sadd.s32 s21, s4  }
0x9e: {  	[timem:s8], [sflag:s22] =	dma.local [hbm:s6], s20  }
0x9f: {  	_ =	swait.ge [sflag:s22], s20  }
0xa0: {  	s5 =	ssub.s32 $0x0, s20;
	[sflag:s22] =	ssyncset.done $0x0  }
0xa1: {  	[sflag:s22] =	ssyncadd.s32 s5;
	_ =	sdelay $0x1  }
0xa2: {  	s23 =	simm.s32 $0x1B8B  }
0xa3: {  	_ =	swait.ge [sflag:s23], $0x1  }
0xa4: {  	[sflag:s23] =	ssyncset.done $0x0  }
0xa5: {  	s25 =	simm.s32 $0x1B8E;
	s24 =	sld [smem:$0x3FFE];
	[sflag:s23] =	ssyncadd.s32 $0xFFFFFFFF  }
0xa6: {  	s26 =	simm.s32 $execute0_lowered;
	[smem:$0x3FD2] =	sst s25  }
0xa7: {  	s6 =	sshll.u32 s26, $0x1;
	_ =	strace $0x80000046;
	[dreg:$0x1] =	wrdreg $0xFFFFFFFF  }
0xa8: {  	s28 =	simm.s32 $_size_execute0_lowered;
	s4 =	sadd.s32 s4, s6;
	[dreg:$0x0] =	wrdreg $0x0  }
0xa9: {  	s6 =	sshll.u32 s28, $0x1;
	[dreg:$0x2] =	wrdreg s4  }
0xaa: {  	[dreg:$0x3] =	wrdreg s6  }
0xab: {  	[dreg:$0x4] =	wrdreg $0xC0  }
0xac: {  	_ =	task [dreg:s8], $0x5FFFF  }
0xad: {  	[dreg:$0x1] =	wrdreg $0xFFFFFFFF  }
0xae: {  	[dreg:$0x0] =	wrdreg $0x60  }
0xaf: {  	[dreg:$0x2] =	wrdreg s24  }
0xb0: {  	[dreg:$0x3] =	wrdreg s2  }
0xb1: {  	[dreg:$0x4] =	wrdreg s18  }
0xb2: {  	[dreg:$0x5] =	wrdreg $0x9  }
0xb3: {  	_ =	task.clear_ibuf [dreg:s8], $0x6FFFF;
	_ =	strace $0x90000046  }
0xb4: {  	s29 =	simm.s32 $0x9;
	_ =	strace $0x80000048  }
0xb5: {  	_ =	swait.ge [sflag:s29], $0x1  }
0xb6: {  	[sflag:s29] =	ssyncadd.s32 $0xFFFFFFFF  }
0xb7: {  	_ =	strace $0x90000048  }
0xb8: {  	_ =	sfence  }
0xb9: {  	s30 =	sld [smem:$0x0];
	_ =	sdelay $0x2  }
0xba: {  	s31 =	sshll.u32 s1, $0xD;
	s1 =	sshrl.u32 s1, $0x2  }
0xbb: {  	s3 =	sand.u32 $0x4000, s31;
	s1 =	sadd.s32 s1, s30  }
0xbc: {  	s0 =	sor.u32 s3, s0;
	s1 =	sshll.u32 s1, $0x11  }
0xbd: {  	s0 =	sor.u32 s1, s0  }
0xbe: {  	s0 =	sadd.s32 $0x8F2B, s0  }
0xbf: {  	[sflag:s0] =	ssyncadd.remote.s32 $0x1  }
0xc0: {  	_ =	sfence.sel $0xFFFF  }
0xc1: {  	[dreg:$0x0] =	wrdreg $0xFFFFFFFF;
	(pc) =	sbr.abs _section_cstart, $3  }
0xc2: {  	[dreg:$0x1] =	wrdreg $0xFFFFFFFF  }
0xc3: {  	_ =	task.clear_ibuf [dreg:s8], $0x2FFFF;
	_ =	strace $0x9FFFFFFF  }
0xc4: {  	(tm) =	ssettm $0x7FFFFFFF  }
0xc5: {  	_ =	shalt  }
tec
execute0_lowered:
.L_overlay_start_1:
0x0: {  	(tag) =	ssettag $0x1  }
0x1: {  	s0 =	rddreg [dreg:$0x0]  }
0x2: {  	s2 =	rddreg [dreg:$0x1];
	s1 =	srdreg.scid  }
0x3: {  	s13 =	stileid.u32;
	s4 =	rddreg [dreg:$0x2]  }
0x4: {  	s3 =	simm.s32 $0x0;
	s20 =	simm.s32 $0x2800;
	s19 =	simm.s32 $0x3800  }
0x5: {  	s18 =	simm.s32 $0x4800;
	s28 =	simm.s32 $0x5800;
	s29 =	simm.s32 $0x6800  }
0x6: {  	s30 =	simm.s32 $0x7800;
	s21 =	simm.s32 $0xE000;
	s31 =	simm.s32 $0x1  }
0x7: {  	s15 =	simm.s32 $0x7;
	s16 =	simm.s32 $0x8;
	s17 =	simm.s32 $0x0  }
0x8: {  	s1 =	sand.u32 $0x1, s1;
	s5 =	sshll.u32 s13, $0x1;
	[smem:$0x7FF] =	sst s3  }
0x9: {  	s7 =	sadd.s32 $0x300, s2;
	s8 =	sadd.s32 $0x400, s2;
	s9 =	sadd.s32 $0x500, s2  }
0xa: {  	s10 =	sadd.s32 $0x600, s2;
	s13 =	sshll.u32 s13, $0x12;
	s11 =	sor.u32 s1, s5  }
0xb: {  	s6 =	ssub.s32 $0x2, s1;
	_ =	strace $0x80000047;
	s1 =	sshll.u32 s1, $0x11  }
0xc: {  	[dreg:$0xb] =	wrdreg s17;
	s5 =	sshll.u32 s11, $0xA;
	s22 =	sshrl.u32 s6, $0x1  }
0xd: {  	s23 =	sshll.u32 s11, $0x11;
	s11 =	sadd.s32 $0x700, s2;
	s0 =	sadd.s32 s5, s0  }
0xe: {  	s12 =	ssub.s32 s6, s22;
	s5 =	sadd.s32 $0x100, s2;
	s6 =	sadd.s32 $0x200, s2  }
0xf: {  	s22 =	simm.s32 $0x3000;
	s0 =	sadd.s32 $0x400, s0;
	s26 =	smax.u32 s12, $0x1  }
0x10: {  	s12 =	simm.s32 $0x6000;
	[dreg:$0x5] =	wrdreg s0;
	s0 =	sadd.s32 s23, s4  }
0x11: {  	s4 =	sadd.s32 s13, s4;
	[dreg:$0xa] =	wrdreg s26;
	s14 =	sadd.s32 $0x1E000, s0  }
0x12: {  	s26 =	simm.s32 $0x2000;
	s24 =	sadd.s32 $0x1E800, s0;
	[dreg:$0x6] =	wrdreg s14  }
0x13: {  	s23 =	simm.s32 $0x4000;
	s25 =	sadd.s32 $0x1F000, s0;
	[dreg:$0x7] =	wrdreg s24  }
0x14: {  	s13 =	simm.s32 $0x5;
	s0 =	sadd.s32 $0x1F800, s0;
	[dreg:$0x8] =	wrdreg s25  }
0x15: {  	v0 =	vlaneseq.u32;
	s1 =	sadd.s32 s1, s4;
	s4 =	simm.s32 $0x4;
	[dreg:$0x9] =	wrdreg s0  }
0x16: {  	v1 =	vshrl.u32 v0, $0x3;
	[dreg:$0x4] =	wrdreg s1;
	s25 =	simm.s32 $0x5000;
	s24 =	simm.s32 $0xA000  }
0x17: {  	vm0 =	vmmov $0xffff;
	v0 =	vand.u32 $0x7, v0;
	v1 =	vmul.u32 $0x8, v1;
	s1 =	simm.s32 $0x2;
	s0 =	simm.s32 $0x3;
	s14 =	simm.s32 $0x6  }
.LBB2_1:
0x18: {  	s17 =	rddreg [dreg:$0x5]  }
0x19: {  	[tilespmem:s3], [sflag:$0x9] =	stream.linear.gather [hbm4b:s17+s3], $0x2000, $0x38;
	[tilespmem:$0x12000] =	vst v63  }
0x1a: {  	s17 =	simm.s32 $0x9  }
0x1b: {  	_ =	swait.ge [sflag:s17], $0x2000  }
0x1c: {  	[sflag:s17] =	ssyncset.done $0x0  }
0x1d: {  	[sflag:s17] =	ssyncadd.s32 $0xFFFFE000  }
0x1e: {  	v2 =	vld.msk [tilespmem:$0x0], $0xff;
	_ =	sdelay $0x4  }
0x1f: {  	v3 =	vshll.u32 v2, $0x4  }
0x20: {  	v2 =	vand.u32 $0x7, v2;
	v3 =	vand.u32 $0xFFFFFF80, v3  }
0x21: {  	v2 =	vor.u32 v2, v3  }
0x22: {  	v2 =	vperm.xlane v2, v0;
	_ =	sdelay $0x1  }
0x23: {  	v2 =	vadd.s32 v1, v2;
	_ =	sdelay $0x4  }
0x24: {  	[tilespmem:s26], [sflag:$0x1] =	stream.indirect_vreg.gather [hbm4b:s2+s3], $0x80, v2, vm0, $0xb8;
	[tilespmem:$0x12000] =	vst v63  }
0x25: {  	_ = 	snop  }
0x26: {  	[tilespmem:s20], [sflag:$0x1] =	stream.indirect_vreg.gather [hbm4b:s5+s3], $0x80, v2, vm0, $0xb8;
	[tilespmem:$0x12000] =	vst v63  }
0x27: {  	_ = 	snop  }
0x28: {  	[tilespmem:s22], [sflag:$0x1] =	stream.indirect_vreg.gather [hbm4b:s6+s3], $0x80, v2, vm0, $0xb8;
	[tilespmem:$0x12000] =	vst v63  }
0x29: {  	_ = 	snop  }
0x2a: {  	[tilespmem:s19], [sflag:$0x1] =	stream.indirect_vreg.gather [hbm4b:s7+s3], $0x80, v2, vm0, $0xb8;
	[tilespmem:$0x12000] =	vst v63  }
0x2b: {  	_ = 	snop  }
0x2c: {  	[tilespmem:s23], [sflag:$0x1] =	stream.indirect_vreg.gather [hbm4b:s8+s3], $0x80, v2, vm0, $0xb8;
	[tilespmem:$0x12000] =	vst v63  }
0x2d: {  	_ = 	snop  }
0x2e: {  	[tilespmem:s18], [sflag:$0x1] =	stream.indirect_vreg.gather [hbm4b:s9+s3], $0x80, v2, vm0, $0xb8;
	[tilespmem:$0x12000] =	vst v63  }
0x2f: {  	_ = 	snop  }
0x30: {  	[tilespmem:s25], [sflag:$0x1] =	stream.indirect_vreg.gather [hbm4b:s10+s3], $0x80, v2, vm0, $0xb8;
	[tilespmem:$0x12000] =	vst v63  }
0x31: {  	_ = 	snop  }
0x32: {  	[tilespmem:s28], [sflag:$0x1] =	stream.indirect_vreg.gather [hbm4b:s11+s3], $0x80, v2, vm0, $0xb8;
	[tilespmem:$0x12000] =	vst v63  }
0x33: {  	v2 =	vld.msk [tilespmem:$0x80], $0xff;
	_ =	sdelay $0x4  }
0x34: {  	v3 =	vshll.u32 v2, $0x4  }
0x35: {  	v2 =	vand.u32 $0x7, v2;
	v3 =	vand.u32 $0xFFFFFF80, v3  }
0x36: {  	v2 =	vor.u32 v2, v3  }
0x37: {  	v2 =	vperm.xlane v2, v0;
	_ =	sdelay $0x1  }
0x38: {  	v2 =	vadd.s32 v1, v2;
	_ =	sdelay $0x4  }
0x39: {  	[tilespmem:s12], [sflag:$0x2] =	stream.indirect_vreg.gather [hbm4b:s2+s3], $0x80, v2, vm0, $0xb8;
	[tilespmem:$0x12000] =	vst v63  }
0x3a: {  	_ = 	snop  }
0x3b: {  	[tilespmem:s29], [sflag:$0x2] =	stream.indirect_vreg.gather [hbm4b:s5+s3], $0x80, v2, vm0, $0xb8;
	[tilespmem:$0x12000] =	vst v63  }
0x3c: {  	s19 =	simm.s32 $0x7000  }
0x3d: {  	[tilespmem:s19], [sflag:$0x2] =	stream.indirect_vreg.gather [hbm4b:s6+s3], $0x80, v2, vm0, $0xb8;
	[tilespmem:$0x12000] =	vst v63  }
0x3e: {  	_ = 	snop  }
0x3f: {  	[tilespmem:s30], [sflag:$0x2] =	stream.indirect_vreg.gather [hbm4b:s7+s3], $0x80, v2, vm0, $0xb8;
	[tilespmem:$0x12000] =	vst v63  }
0x40: {  	s20 =	simm.s32 $0x8000  }
0x41: {  	[tilespmem:s20], [sflag:$0x2] =	stream.indirect_vreg.gather [hbm4b:s8+s3], $0x80, v2, vm0, $0xb8;
	[tilespmem:$0x12000] =	vst v63  }
0x42: {  	s22 =	simm.s32 $0x8800  }
0x43: {  	[tilespmem:s22], [sflag:$0x2] =	stream.indirect_vreg.gather [hbm4b:s9+s3], $0x80, v2, vm0, $0xb8;
	[tilespmem:$0x12000] =	vst v63  }
0x44: {  	s23 =	simm.s32 $0x9000  }
0x45: {  	[tilespmem:s23], [sflag:$0x2] =	stream.indirect_vreg.gather [hbm4b:s10+s3], $0x80, v2, vm0, $0xb8;
	[tilespmem:$0x12000] =	vst v63  }
0x46: {  	s25 =	simm.s32 $0x9800  }
0x47: {  	[tilespmem:s25], [sflag:$0x2] =	stream.indirect_vreg.gather [hbm4b:s11+s3], $0x80, v2, vm0, $0xb8;
	[tilespmem:$0x12000] =	vst v63  }
0x48: {  	v2 =	vld.msk [tilespmem:$0x100], $0xff;
	_ =	sdelay $0x4  }
0x49: {  	v3 =	vshll.u32 v2, $0x4  }
0x4a: {  	v2 =	vand.u32 $0x7, v2;
	v3 =	vand.u32 $0xFFFFFF80, v3  }
0x4b: {  	v2 =	vor.u32 v2, v3  }
0x4c: {  	v2 =	vperm.xlane v2, v0;
	_ =	sdelay $0x1  }
0x4d: {  	v2 =	vadd.s32 v1, v2;
	_ =	sdelay $0x4  }
0x4e: {  	[tilespmem:s24], [sflag:$0x3] =	stream.indirect_vreg.gather [hbm4b:s2+s3], $0x80, v2, vm0, $0xb8;
	[tilespmem:$0x12000] =	vst v63  }
0x4f: {  	s26 =	simm.s32 $0xA800  }
0x50: {  	[tilespmem:s26], [sflag:$0x3] =	stream.indirect_vreg.gather [hbm4b:s5+s3], $0x80, v2, vm0, $0xb8;
	[tilespmem:$0x12000] =	vst v63  }
0x51: {  	s30 =	simm.s32 $0xB000  }
0x52: {  	[tilespmem:s30], [sflag:$0x3] =	stream.indirect_vreg.gather [hbm4b:s6+s3], $0x80, v2, vm0, $0xb8;
	[tilespmem:$0x12000] =	vst v63  }
0x53: {  	s17 =	simm.s32 $0xB800  }
0x54: {  	[tilespmem:s17], [sflag:$0x3] =	stream.indirect_vreg.gather [hbm4b:s7+s3], $0x80, v2, vm0, $0xb8;
	[tilespmem:$0x12000] =	vst v63  }
0x55: {  	s18 =	simm.s32 $0xC000  }
0x56: {  	[tilespmem:s18], [sflag:$0x3] =	stream.indirect_vreg.gather [hbm4b:s8+s3], $0x80, v2, vm0, $0xb8;
	[tilespmem:$0x12000] =	vst v63  }
0x57: {  	s19 =	simm.s32 $0xC800  }
0x58: {  	[tilespmem:s19], [sflag:$0x3] =	stream.indirect_vreg.gather [hbm4b:s9+s3], $0x80, v2, vm0, $0xb8;
	[tilespmem:$0x12000] =	vst v63  }
0x59: {  	s20 =	simm.s32 $0xD000  }
0x5a: {  	[tilespmem:s20], [sflag:$0x3] =	stream.indirect_vreg.gather [hbm4b:s10+s3], $0x80, v2, vm0, $0xb8;
	[tilespmem:$0x12000] =	vst v63  }
0x5b: {  	s22 =	simm.s32 $0xD800  }
0x5c: {  	[tilespmem:s22], [sflag:$0x3] =	stream.indirect_vreg.gather [hbm4b:s11+s3], $0x80, v2, vm0, $0xb8;
	[tilespmem:$0x12000] =	vst v63  }
0x5d: {  	v2 =	vld.msk [tilespmem:$0x180], $0xff;
	_ =	sdelay $0x4  }
0x5e: {  	v3 =	vshll.u32 v2, $0x4  }
0x5f: {  	v2 =	vand.u32 $0x7, v2;
	v3 =	vand.u32 $0xFFFFFF80, v3  }
0x60: {  	v2 =	vor.u32 v2, v3  }
0x61: {  	v2 =	vperm.xlane v2, v0;
	_ =	sdelay $0x1  }
0x62: {  	v2 =	vadd.s32 v1, v2;
	_ =	sdelay $0x4  }
0x63: {  	[tilespmem:s21], [sflag:$0x4] =	stream.indirect_vreg.gather [hbm4b:s2+s3], $0x80, v2, vm0, $0xb8;
	[tilespmem:$0x12000] =	vst v63  }
0x64: {  	s23 =	simm.s32 $0xE800  }
0x65: {  	[tilespmem:s23], [sflag:$0x4] =	stream.indirect_vreg.gather [hbm4b:s5+s3], $0x80, v2, vm0, $0xb8;
	[tilespmem:$0x12000] =	vst v63  }
0x66: {  	s24 =	simm.s32 $0xF000  }
0x67: {  	[tilespmem:s24], [sflag:$0x4] =	stream.indirect_vreg.gather [hbm4b:s6+s3], $0x80, v2, vm0, $0xb8;
	[tilespmem:$0x12000] =	vst v63  }
0x68: {  	s25 =	simm.s32 $0xF800  }
0x69: {  	[tilespmem:s25], [sflag:$0x4] =	stream.indirect_vreg.gather [hbm4b:s7+s3], $0x80, v2, vm0, $0xb8;
	[tilespmem:$0x12000] =	vst v63  }
0x6a: {  	s26 =	simm.s32 $0x10000  }
0x6b: {  	[tilespmem:s26], [sflag:$0x4] =	stream.indirect_vreg.gather [hbm4b:s8+s3], $0x80, v2, vm0, $0xb8;
	[tilespmem:$0x12000] =	vst v63  }
0x6c: {  	s28 =	simm.s32 $0x7800;
	s30 =	simm.s32 $0x10800  }
0x6d: {  	[tilespmem:s30], [sflag:$0x4] =	stream.indirect_vreg.gather [hbm4b:s9+s3], $0x80, v2, vm0, $0xb8;
	[tilespmem:$0x12000] =	vst v63  }
0x6e: {  	s29 =	simm.s32 $0x5800;
	s17 =	simm.s32 $0x380;
	s18 =	simm.s32 $0x11000  }
0x6f: {  	[tilespmem:s18], [sflag:$0x4] =	stream.indirect_vreg.gather [hbm4b:s10+s3], $0x80, v2, vm0, $0xb8;
	[tilespmem:$0x12000] =	vst v63  }
0x70: {  	s19 =	simm.s32 $0x0;
	s23 =	simm.s32 $0x11800;
	s25 =	simm.s32 $0x4800  }
0x71: {  	[tilespmem:s23], [sflag:$0x4] =	stream.indirect_vreg.gather [hbm4b:s11+s3], $0x80, v2, vm0, $0xb8;
	[tilespmem:$0x12000] =	vst v63  }
.LBB2_2:
0x72: {  	_ =	swait.ge [sflag:s31], $0x4000  }
0x73: {  	s20 =	rddreg [dreg:$0x4];
	[sflag:s31] =	ssyncset.done $0x0  }
0x74: {  	s12 =	simm.s32 $0x2000;
	[sflag:s31] =	ssyncadd.s32 $0xFFFFC000;
	s20 =	sadd.s32 s19, s20  }
0x75: {  	[hbm4b:s20+s3] =	stream.linear.scatter [tilespmem:s12], [sflag:$0x5], $0x4000, $0x38;
	[tilespmem:$0x12000] =	vst v63  }
0x76: {  	_ =	swait.ge [sflag:s1], $0x4000  }
0x77: {  	[sflag:s1] =	ssyncset.done $0x0  }
0x78: {  	s24 =	simm.s32 $0x6000;
	s22 =	sadd.s32 $0x800, s20;
	[sflag:s1] =	ssyncadd.s32 $0xFFFFC000  }
0x79: {  	[hbm4b:s22+s3] =	stream.linear.scatter [tilespmem:s24], [sflag:$0x6], $0x4000, $0x38;
	[tilespmem:$0x12000] =	vst v63  }
0x7a: {  	_ =	swait.ge [sflag:s0], $0x4000  }
0x7b: {  	[sflag:s0] =	ssyncset.done $0x0  }
0x7c: {  	s30 =	simm.s32 $0xA000;
	s26 =	sadd.s32 $0x1000, s20;
	[sflag:s0] =	ssyncadd.s32 $0xFFFFC000  }
0x7d: {  	[hbm4b:s26+s3] =	stream.linear.scatter [tilespmem:s30], [sflag:$0x7], $0x4000, $0x38;
	[tilespmem:$0x12000] =	vst v63  }
0x7e: {  	_ =	swait.ge [sflag:s4], $0x4000  }
0x7f: {  	[sflag:s4] =	ssyncset.done $0x0  }
0x80: {  	s20 =	sadd.s32 $0x1800, s20;
	[sflag:s4] =	ssyncadd.s32 $0xFFFFC000  }
0x81: {  	[hbm4b:s20+s3] =	stream.linear.scatter [tilespmem:s21], [sflag:$0x8], $0x4000, $0x38;
	[tilespmem:$0x12000] =	vst v63  }
0x82: {  	_ =	swait.ge [sflag:s13], $0x4000  }
0x83: {  	[sflag:s13] =	ssyncset.done $0x0  }
0x84: {  	[sflag:s13] =	ssyncadd.s32 $0xFFFFC000  }
0x85: {  	v2 =	vld.msk [tilespmem:s17+$0xFFFFFE80], $0xff;
	_ =	sdelay $0x4  }
0x86: {  	v3 =	vshll.u32 v2, $0x4  }
0x87: {  	v2 =	vand.u32 $0x7, v2;
	v3 =	vand.u32 $0xFFFFFF80, v3  }
0x88: {  	v2 =	vor.u32 v2, v3  }
0x89: {  	v2 =	vperm.xlane v2, v0;
	_ =	sdelay $0x1  }
0x8a: {  	v2 =	vadd.s32 v1, v2;
	_ =	sdelay $0x4  }
0x8b: {  	[tilespmem:s12], [sflag:$0x1] =	stream.indirect_vreg.gather [hbm4b:s2+s3], $0x80, v2, vm0, $0xb8;
	[tilespmem:$0x12000] =	vst v63  }
0x8c: {  	s20 =	simm.s32 $0x2800  }
0x8d: {  	[tilespmem:s20], [sflag:$0x1] =	stream.indirect_vreg.gather [hbm4b:s5+s3], $0x80, v2, vm0, $0xb8;
	[tilespmem:$0x12000] =	vst v63  }
0x8e: {  	s22 =	simm.s32 $0x3000  }
0x8f: {  	[tilespmem:s22], [sflag:$0x1] =	stream.indirect_vreg.gather [hbm4b:s6+s3], $0x80, v2, vm0, $0xb8;
	[tilespmem:$0x12000] =	vst v63  }
0x90: {  	s12 =	simm.s32 $0x3800  }
0x91: {  	[tilespmem:s12], [sflag:$0x1] =	stream.indirect_vreg.gather [hbm4b:s7+s3], $0x80, v2, vm0, $0xb8;
	[tilespmem:$0x12000] =	vst v63  }
0x92: {  	s12 =	simm.s32 $0x4000  }
0x93: {  	[tilespmem:s12], [sflag:$0x1] =	stream.indirect_vreg.gather [hbm4b:s8+s3], $0x80, v2, vm0, $0xb8;
	[tilespmem:$0x12000] =	vst v63  }
0x94: {  	_ = 	snop  }
0x95: {  	[tilespmem:s25], [sflag:$0x1] =	stream.indirect_vreg.gather [hbm4b:s9+s3], $0x80, v2, vm0, $0xb8;
	[tilespmem:$0x12000] =	vst v63  }
0x96: {  	s12 =	simm.s32 $0x5000  }
0x97: {  	[tilespmem:s12], [sflag:$0x1] =	stream.indirect_vreg.gather [hbm4b:s10+s3], $0x80, v2, vm0, $0xb8;
	[tilespmem:$0x12000] =	vst v63  }
0x98: {  	_ = 	snop  }
0x99: {  	[tilespmem:s29], [sflag:$0x1] =	stream.indirect_vreg.gather [hbm4b:s11+s3], $0x80, v2, vm0, $0xb8;
	[tilespmem:$0x12000] =	vst v63  }
0x9a: {  	_ =	swait.ge [sflag:s14], $0x4000  }
0x9b: {  	[sflag:s14] =	ssyncset.done $0x0  }
0x9c: {  	[sflag:s14] =	ssyncadd.s32 $0xFFFFC000  }
0x9d: {  	v2 =	vld.msk [tilespmem:s17+$0xFFFFFF00], $0xff;
	_ =	sdelay $0x4  }
0x9e: {  	v3 =	vshll.u32 v2, $0x4  }
0x9f: {  	v2 =	vand.u32 $0x7, v2;
	v3 =	vand.u32 $0xFFFFFF80, v3  }
0xa0: {  	v2 =	vor.u32 v2, v3  }
0xa1: {  	v2 =	vperm.xlane v2, v0;
	_ =	sdelay $0x1  }
0xa2: {  	v2 =	vadd.s32 v1, v2;
	_ =	sdelay $0x4  }
0xa3: {  	[tilespmem:s24], [sflag:$0x2] =	stream.indirect_vreg.gather [hbm4b:s2+s3], $0x80, v2, vm0, $0xb8;
	[tilespmem:$0x12000] =	vst v63  }
0xa4: {  	s24 =	simm.s32 $0x6800  }
0xa5: {  	[tilespmem:s24], [sflag:$0x2] =	stream.indirect_vreg.gather [hbm4b:s5+s3], $0x80, v2, vm0, $0xb8;
	[tilespmem:$0x12000] =	vst v63  }
0xa6: {  	s24 =	simm.s32 $0x7000  }
0xa7: {  	[tilespmem:s24], [sflag:$0x2] =	stream.indirect_vreg.gather [hbm4b:s6+s3], $0x80, v2, vm0, $0xb8;
	[tilespmem:$0x12000] =	vst v63  }
0xa8: {  	_ = 	snop  }
0xa9: {  	[tilespmem:s28], [sflag:$0x2] =	stream.indirect_vreg.gather [hbm4b:s7+s3], $0x80, v2, vm0, $0xb8;
	[tilespmem:$0x12000] =	vst v63  }
0xaa: {  	s24 =	simm.s32 $0x8000  }
0xab: {  	[tilespmem:s24], [sflag:$0x2] =	stream.indirect_vreg.gather [hbm4b:s8+s3], $0x80, v2, vm0, $0xb8;
	[tilespmem:$0x12000] =	vst v63  }
0xac: {  	s24 =	simm.s32 $0x8800  }
0xad: {  	[tilespmem:s24], [sflag:$0x2] =	stream.indirect_vreg.gather [hbm4b:s9+s3], $0x80, v2, vm0, $0xb8;
	[tilespmem:$0x12000] =	vst v63  }
0xae: {  	s24 =	simm.s32 $0x9000  }
0xaf: {  	[tilespmem:s24], [sflag:$0x2] =	stream.indirect_vreg.gather [hbm4b:s10+s3], $0x80, v2, vm0, $0xb8;
	[tilespmem:$0x12000] =	vst v63  }
0xb0: {  	s24 =	simm.s32 $0x9800  }
0xb1: {  	[tilespmem:s24], [sflag:$0x2] =	stream.indirect_vreg.gather [hbm4b:s11+s3], $0x80, v2, vm0, $0xb8;
	[tilespmem:$0x12000] =	vst v63  }
0xb2: {  	_ =	swait.ge [sflag:s15], $0x4000  }
0xb3: {  	[sflag:s15] =	ssyncset.done $0x0  }
0xb4: {  	[sflag:s15] =	ssyncadd.s32 $0xFFFFC000  }
0xb5: {  	v2 =	vld.msk [tilespmem:s17+$0xFFFFFF80], $0xff;
	_ =	sdelay $0x4  }
0xb6: {  	v3 =	vshll.u32 v2, $0x4  }
0xb7: {  	v2 =	vand.u32 $0x7, v2;
	v3 =	vand.u32 $0xFFFFFF80, v3  }
0xb8: {  	v2 =	vor.u32 v2, v3  }
0xb9: {  	v2 =	vperm.xlane v2, v0;
	_ =	sdelay $0x1  }
0xba: {  	v2 =	vadd.s32 v1, v2;
	_ =	sdelay $0x4  }
0xbb: {  	[tilespmem:s30], [sflag:$0x3] =	stream.indirect_vreg.gather [hbm4b:s2+s3], $0x80, v2, vm0, $0xb8;
	[tilespmem:$0x12000] =	vst v63  }
0xbc: {  	s30 =	simm.s32 $0xA800  }
0xbd: {  	[tilespmem:s30], [sflag:$0x3] =	stream.indirect_vreg.gather [hbm4b:s5+s3], $0x80, v2, vm0, $0xb8;
	[tilespmem:$0x12000] =	vst v63  }
0xbe: {  	s30 =	simm.s32 $0xB000  }
0xbf: {  	[tilespmem:s30], [sflag:$0x3] =	stream.indirect_vreg.gather [hbm4b:s6+s3], $0x80, v2, vm0, $0xb8;
	[tilespmem:$0x12000] =	vst v63  }
0xc0: {  	s30 =	simm.s32 $0xB800  }
0xc1: {  	[tilespmem:s30], [sflag:$0x3] =	stream.indirect_vreg.gather [hbm4b:s7+s3], $0x80, v2, vm0, $0xb8;
	[tilespmem:$0x12000] =	vst v63  }
0xc2: {  	s30 =	simm.s32 $0xC000  }
0xc3: {  	[tilespmem:s30], [sflag:$0x3] =	stream.indirect_vreg.gather [hbm4b:s8+s3], $0x80, v2, vm0, $0xb8;
	[tilespmem:$0x12000] =	vst v63  }
0xc4: {  	s30 =	simm.s32 $0xC800  }
0xc5: {  	[tilespmem:s30], [sflag:$0x3] =	stream.indirect_vreg.gather [hbm4b:s9+s3], $0x80, v2, vm0, $0xb8;
	[tilespmem:$0x12000] =	vst v63  }
0xc6: {  	s30 =	simm.s32 $0xD000  }
0xc7: {  	[tilespmem:s30], [sflag:$0x3] =	stream.indirect_vreg.gather [hbm4b:s10+s3], $0x80, v2, vm0, $0xb8;
	[tilespmem:$0x12000] =	vst v63  }
0xc8: {  	s30 =	simm.s32 $0xD800  }
0xc9: {  	[tilespmem:s30], [sflag:$0x3] =	stream.indirect_vreg.gather [hbm4b:s11+s3], $0x80, v2, vm0, $0xb8;
	[tilespmem:$0x12000] =	vst v63  }
0xca: {  	_ =	swait.ge [sflag:s16], $0x4000  }
0xcb: {  	[sflag:s16] =	ssyncset.done $0x0  }
0xcc: {  	[sflag:s16] =	ssyncadd.s32 $0xFFFFC000  }
0xcd: {  	v2 =	vld.msk [tilespmem:s17+$0x0], $0xff;
	_ =	sdelay $0x4  }
0xce: {  	v3 =	vshll.u32 v2, $0x4  }
0xcf: {  	v2 =	vand.u32 $0x7, v2;
	v3 =	vand.u32 $0xFFFFFF80, v3  }
0xd0: {  	v2 =	vor.u32 v2, v3  }
0xd1: {  	v2 =	vperm.xlane v2, v0;
	_ =	sdelay $0x1  }
0xd2: {  	v2 =	vadd.s32 v1, v2;
	_ =	sdelay $0x4  }
0xd3: {  	[tilespmem:s21], [sflag:$0x4] =	stream.indirect_vreg.gather [hbm4b:s2+s3], $0x80, v2, vm0, $0xb8;
	[tilespmem:$0x12000] =	vst v63  }
0xd4: {  	s30 =	simm.s32 $0xE800  }
0xd5: {  	[tilespmem:s30], [sflag:$0x4] =	stream.indirect_vreg.gather [hbm4b:s5+s3], $0x80, v2, vm0, $0xb8;
	[tilespmem:$0x12000] =	vst v63  }
0xd6: {  	s30 =	simm.s32 $0xF000  }
0xd7: {  	[tilespmem:s30], [sflag:$0x4] =	stream.indirect_vreg.gather [hbm4b:s6+s3], $0x80, v2, vm0, $0xb8;
	[tilespmem:$0x12000] =	vst v63  }
0xd8: {  	s30 =	simm.s32 $0xF800  }
0xd9: {  	[tilespmem:s30], [sflag:$0x4] =	stream.indirect_vreg.gather [hbm4b:s7+s3], $0x80, v2, vm0, $0xb8;
	[tilespmem:$0x12000] =	vst v63  }
0xda: {  	s30 =	simm.s32 $0x10000  }
0xdb: {  	[tilespmem:s30], [sflag:$0x4] =	stream.indirect_vreg.gather [hbm4b:s8+s3], $0x80, v2, vm0, $0xb8;
	[tilespmem:$0x12000] =	vst v63  }
0xdc: {  	p0 =	sne.s32 s19, $0x1C000;
	s30 =	simm.s32 $0x10800  }
0xdd: {  	[tilespmem:s30], [sflag:$0x4] =	stream.indirect_vreg.gather [hbm4b:s9+s3], $0x80, v2, vm0, $0xb8;
	[tilespmem:$0x12000] =	vst v63  }
.Ltmp0:
0xde: {  	_ = 	snop;
	(pc) =	sbr.rel @p0 .LBB2_2-.Ltmp0, $4  }
0xdf: {  	s19 =	sadd.s32 $0x2000, s19;
	s26 =	simm.s32 $0x2000  }
0xe0: {  	[tilespmem:s18], [sflag:$0x4] =	stream.indirect_vreg.gather [hbm4b:s10+s3], $0x80, v2, vm0, $0xb8;
	[tilespmem:$0x12000] =	vst v63  }
0xe1: {  	s12 =	simm.s32 $0x6000;
	s24 =	simm.s32 $0xA000;
	s17 =	sadd.s32 $0x200, s17  }
0xe2: {  	[tilespmem:s23], [sflag:$0x4] =	stream.indirect_vreg.gather [hbm4b:s11+s3], $0x80, v2, vm0, $0xb8;
	[tilespmem:$0x12000] =	vst v63  }
0xe3: {  	_ =	swait.ge [sflag:s31], $0x4000  }
0xe4: {  	[sflag:s31] =	ssyncset.done $0x0  }
0xe5: {  	s17 =	rddreg [dreg:$0x6];
	[sflag:s31] =	ssyncadd.s32 $0xFFFFC000  }
0xe6: {  	[hbm4b:s17+s3] =	stream.linear.scatter [tilespmem:s26], [sflag:$0x5], $0x4000, $0x38;
	[tilespmem:$0x12000] =	vst v63  }
0xe7: {  	_ =	swait.ge [sflag:s1], $0x4000  }
0xe8: {  	[sflag:s1] =	ssyncset.done $0x0  }
0xe9: {  	s18 =	rddreg [dreg:$0x7];
	[sflag:s1] =	ssyncadd.s32 $0xFFFFC000  }
0xea: {  	[hbm4b:s18+s3] =	stream.linear.scatter [tilespmem:s12], [sflag:$0x6], $0x4000, $0x38;
	[tilespmem:$0x12000] =	vst v63  }
0xeb: {  	_ =	swait.ge [sflag:s0], $0x4000  }
0xec: {  	[sflag:s0] =	ssyncset.done $0x0  }
0xed: {  	s19 =	rddreg [dreg:$0x8];
	[sflag:s0] =	ssyncadd.s32 $0xFFFFC000  }
0xee: {  	[hbm4b:s19+s3] =	stream.linear.scatter [tilespmem:s24], [sflag:$0x7], $0x4000, $0x38;
	[tilespmem:$0x12000] =	vst v63  }
0xef: {  	_ =	swait.ge [sflag:s4], $0x4000  }
0xf0: {  	[sflag:s4] =	ssyncset.done $0x0  }
0xf1: {  	s23 =	rddreg [dreg:$0x9];
	[sflag:s4] =	ssyncadd.s32 $0xFFFFC000  }
0xf2: {  	[hbm4b:s23+s3] =	stream.linear.scatter [tilespmem:s21], [sflag:$0x8], $0x4000, $0x38;
	[tilespmem:$0x12000] =	vst v63  }
0xf3: {  	_ =	swait.ge [sflag:s13], $0x4000  }
0xf4: {  	[sflag:s13] =	ssyncset.done $0x0  }
0xf5: {  	[sflag:s13] =	ssyncadd.s32 $0xFFFFC000  }
0xf6: {  	_ =	swait.ge [sflag:s14], $0x4000  }
0xf7: {  	[sflag:s14] =	ssyncset.done $0x0  }
0xf8: {  	[sflag:s14] =	ssyncadd.s32 $0xFFFFC000  }
0xf9: {  	_ =	swait.ge [sflag:s15], $0x4000  }
0xfa: {  	[sflag:s15] =	ssyncset.done $0x0  }
0xfb: {  	[sflag:s15] =	ssyncadd.s32 $0xFFFFC000  }
0xfc: {  	_ =	swait.ge [sflag:s16], $0x4000  }
0xfd: {  	s18 =	rddreg [dreg:$0xb]  }
0xfe: {  	s25 =	rddreg [dreg:$0xa];
	s18 =	sadd.s32 $0x1, s18  }
0xff: {  	p0 =	sne.s32 s18, s25  }
.Ltmp1:
0x100: {  	_ = 	snop;
	(pc) =	sbr.rel @p0 .LBB2_1-.Ltmp1, $4  }
0x101: {  	s28 =	simm.s32 $0x5800  }
0x102: {  	s29 =	simm.s32 $0x6800;
	s30 =	simm.s32 $0x7800;
	[sflag:s16] =	ssyncset.done $0x0  }
0x103: {  	s19 =	simm.s32 $0x3800;
	s23 =	simm.s32 $0x4000;
	[sflag:s16] =	ssyncadd.s32 $0xFFFFC000  }
0x104: {  	[dreg:$0xb] =	wrdreg s18;
	s18 =	simm.s32 $0x4800;
	s25 =	simm.s32 $0x5000  }
0x105: {  	_ =	sfence.sel $0x180000  }
0x106: {  	[bflag:$0x0] =	sbarrier.arrive $0xFFFF  }
0x107: {  	_ =	strace $0x90000047  }
0x108: {  	s0 =	stileid.u32;
	[bflag:$0x2] =	sbarrier.arrive $0xFFFF  }
0x109: {  	p0 =	sne.s32 s0, $0x0;
	s0 =	rddreg [dreg:$0x3]  }
0x10a: {  	s0 =	sadd.s32 @!p0 $0x100000, s0  }
0x10b: {  	[sflag:s0] =	ssyncadd.tile.s32 @!p0 $0x1;
	_ =	shalt  }
.Lfunc_end2:
_tile_overlayer_lowered:
.L_overlay_start_2:
0x10c: {  	(tag) =	ssettag $0x2  }
0x10d: {  	s0 =	rddreg [dreg:$0x0];
	s2 =	stileid.u32  }
0x10e: {  	s1 =	rddreg [dreg:$0x1];
	p0 =	sne.s32 s2, $0x0  }
0x10f: {  	s3 =	rddreg [dreg:$0x2];
	[bflag:$0x3] =	sbarrier.arrive $0xFFFF;
	s2 =	simm.s32 @!p0 $0x1C09  }
0x110: {  	[timem:s3], [sflag:s2] =	dma.local @!p0 [hbm:s0], s1  }
0x111: {  	s0 =	simm.s32 @!p0 $0x9  }
0x112: {  	_ =	swait.ge @!p0 [sflag:s0], s1  }
0x113: {  	s1 =	ssub.s32 @!p0 $0x0, s1;
	[sflag:s0] =	ssyncset.done @!p0 $0x0  }
0x114: {  	[sflag:s0] =	ssyncadd.s32 @!p0 s1  }
0x115: {  	[bflag:$0x3] =	sbarrier.arrive $0xFFFF  }
0x116: {  	_ =	shalt  }

</sc_bundles>
